<compile_context>
chip_gen: v7x
topology: tpu7x:2x2x1
jax: 0.10.2.dev20260603
libtpu: 0.0.44.dev20260713+nightly
codegen_flags: <defaults>
</compile_context>

<pallas_src>
import functools

import jax
import jax.numpy as jnp
from jax import lax
from jax.experimental import pallas as pl
from jax.experimental.pallas import tpu as pltpu
from jax.experimental.pallas import tpu_sc as plsc

D_MODEL = 1024
SEQ = 8192
NUM_CORES = 2
NUM_SUBCORES = 16
NUM_WORKERS = NUM_CORES * NUM_SUBCORES

K_CHUNKS = 4
CHUNK_SEQ = SEQ // K_CHUNKS
ROWS_PER_WORKER = CHUNK_SEQ // NUM_WORKERS
S_BLK = 512
BLKS_PER_CHUNK = CHUNK_SEQ // S_BLK

_SC_MESH = plsc.VectorSubcoreMesh(core_axis_name="c", subcore_axis_name="s")


@functools.partial(
    pl.kernel,
    mesh=_SC_MESH,
    out_type=jax.ShapeDtypeStruct((CHUNK_SEQ, D_MODEL), jnp.float32),
    scratch_types=[
        pltpu.VMEM((ROWS_PER_WORKER,), jnp.int32),
        pltpu.VMEM((ROWS_PER_WORKER, D_MODEL), jnp.float32),
        pltpu.SemaphoreType.DMA,
    ],
)
def _gather_chunk_sc(table_hbm, idx_hbm, out_hbm, idx_v, rows_v, sem):
    wid = lax.axis_index("s") * NUM_CORES + lax.axis_index("c")
    base = wid * ROWS_PER_WORKER
    pltpu.sync_copy(idx_hbm.at[pl.ds(base, ROWS_PER_WORKER)], idx_v)
    pltpu.async_copy(table_hbm.at[idx_v], rows_v, sem).wait()
    pltpu.sync_copy(rows_v, out_hbm.at[pl.ds(base, ROWS_PER_WORKER)])


def _add_body(x_ref, p_ref, o_ref):
    o_ref[...] = x_ref[...] + p_ref[...][None, :, :]


def _add_body_carry(c_ref, x_ref, p_ref, o_ref):
    del c_ref
    o_ref[...] = x_ref[...] + p_ref[...][None, :, :]


def _add_chunk_tc(chunk_idx, carry, x, pos):
    b = x.shape[0]
    base_blk = chunk_idx * BLKS_PER_CHUNK

    def xmap(j, base_blk=base_blk):
        return (0, base_blk + j, 0)

    x_spec = pl.BlockSpec((b, S_BLK, D_MODEL), xmap)
    p_spec = pl.BlockSpec((S_BLK, D_MODEL), lambda j: (j, 0))
    o_spec = pl.BlockSpec((b, S_BLK, D_MODEL), xmap)
    out_shape = jax.ShapeDtypeStruct(x.shape, x.dtype)
    if carry is None:
        return pl.pallas_call(
            _add_body,
            grid=(BLKS_PER_CHUNK,),
            in_specs=[x_spec, p_spec],
            out_specs=o_spec,
            out_shape=out_shape,
        )(x, pos)
    return pl.pallas_call(
        _add_body_carry,
        grid=(BLKS_PER_CHUNK,),
        in_specs=[pl.BlockSpec(memory_space=pl.ANY), x_spec, p_spec],
        out_specs=o_spec,
        out_shape=out_shape,
        input_output_aliases={0: 0},
    )(carry, x, pos)


def kernel(x, region_ids, pos_table):
    ids = region_ids.astype(jnp.int32)
    pos_chunks = [
        _gather_chunk_sc(pos_table, ids[i * CHUNK_SEQ:(i + 1) * CHUNK_SEQ])
        for i in range(K_CHUNKS)
    ]
    carry = None
    for i in range(K_CHUNKS):
        carry = _add_chunk_tc(i, carry, x, pos_chunks[i])
    return carry

# --- scband reference (transcript-rebuilt; emitter-appended) ---
"""Pipeline reference for scband-positional-encoding-87995289960626 (READ-ONLY COPY).

The authoritative reference and input builder live on the scoring server;
editing this copy changes nothing except your own understanding.
"""

import jax, jax.numpy as jnp
import numpy as np

D_MODEL = 1024
MAX_REGIONS = 8192
BATCH = 4
SEQ = 8192


def setup_inputs(seed: int = 0) -> dict:
    key = jax.random.key(seed)
    k1, k2, k3 = jax.random.split(key, 3)
    x = jax.random.normal(k1, (BATCH, SEQ, D_MODEL), dtype=jnp.float32)
    region_ids = jax.random.randint(k2, (SEQ,), 0, MAX_REGIONS, dtype=jnp.int64 if jax.config.jax_enable_x64 else jnp.int32)
    # learned positional embedding table (nn.Embedding weight)
    pos_table = jax.random.normal(k3, (MAX_REGIONS, D_MODEL), dtype=jnp.float32)
    return {"x": x, "region_ids": region_ids, "pos_table": pos_table}


def reference(x, region_ids, pos_table):
    # pos_embed = self.position_embedding(region_ids)
    pos_embed = jnp.take(pos_table, region_ids, axis=0)  # [SEQ, D_MODEL]
    # broadcast add over batch dim: return x + pos_embed
    return x + pos_embed

if __name__ == "__main__":
    import jax
    _d = setup_inputs()
    print(jax.jit(kernel)(*tuple(_d.values())))

</pallas_src>

<mosaic_0001>
#map = affine_map<(d0, d1) -> (0, 0)>
#map1 = affine_map<(d0, d1) -> (0)>
module attributes {stable_mosaic.version = 14 : i64} {
  func.func @_gather_chunk_sc(%arg0: i32, %arg1: i32, %arg2: memref<8192x1024xf32, #tpu.memory_space<hbm>>, %arg3: memref<2048xi32, #tpu.memory_space<hbm>>, %arg4: memref<2048x1024xf32, #tpu.memory_space<hbm>>, %arg5: memref<64xi32, #tpu.memory_space<vmem>>, %arg6: memref<64x1024xf32, #tpu.memory_space<vmem>>, %arg7: memref<!tpu.dma_semaphore, #tpu.memory_space<semaphore_mem>>) attributes {dimension_semantics = [#tpu.dimension_semantics<core_parallel>, #tpu.dimension_semantics<subcore_parallel>], iteration_bounds = array<i64: 2, 16>, scalar_prefetch = 0 : i64, scratch_operands = 3 : i64, tpu.core_type = #tpu.core_type<sc_vector_subcore>, window_params = [{transform_indices = #map}, {transform_indices = #map1}, {transform_indices = #map}]} {
    %mul3A = arith.constant 2 : i32
    %mul3A_0 = arith.muli %arg1, %mul3A : i32
    %add3A = arith.addi %mul3A_0, %arg0 : i32
    %mul3A_1 = arith.constant 64 : i32
    %mul3A_2 = arith.muli %add3A, %mul3A_1 : i32
    "tpu.region"() ({
      %run_scoped3A = tpu.sem_alloc : memref<!tpu.dma_semaphore, #tpu.memory_space<semaphore_mem>>
      %dma_start3A_7 = tpu.memref_slice %arg3[%mul3A_2] : memref<2048xi32, #tpu.memory_space<hbm>> -> memref<64xi32, #tpu.memory_space<hbm>>
      %dma_start3A_8 = tpu.memref_slice %arg3[%mul3A_2] : memref<2048xi32, #tpu.memory_space<hbm>> -> memref<64xi32, #tpu.memory_space<hbm>>
      tpu.enqueue_dma source(%dma_start3A_8 : memref<64xi32, #tpu.memory_space<hbm>>) target(%arg5 : memref<64xi32, #tpu.memory_space<vmem>>) target_semaphore(%run_scoped3A : memref<!tpu.dma_semaphore, #tpu.memory_space<semaphore_mem>>)
      %dma_wait3A_9 = tpu.memref_slice %arg3[%mul3A_2] : memref<2048xi32, #tpu.memory_space<hbm>> -> memref<64xi32, #tpu.memory_space<hbm>>
      %dma_wait3A_10 = tpu.memref_slice %arg3[%mul3A_2] : memref<2048xi32, #tpu.memory_space<hbm>> -> memref<64xi32, #tpu.memory_space<hbm>>
      tpu.wait_dma2 semaphore(%run_scoped3A : memref<!tpu.dma_semaphore, #tpu.memory_space<semaphore_mem>>) src(%dma_wait3A_10 : memref<64xi32, #tpu.memory_space<hbm>>) dst(%arg5 : memref<64xi32, #tpu.memory_space<vmem>>)
      tpu.yield
    }) : () -> ()
    %dma_start3A = arith.constant 0 : i32
    %dma_start3A_3 = arith.constant 0 : i32
    %dma_start3A_4 = tpu.memref_slice %arg2[%dma_start3A, %dma_start3A_3] : memref<8192x1024xf32, #tpu.memory_space<hbm>> -> memref<8192x1024xf32, #tpu.memory_space<hbm>>
    tpu.enqueue_indirect_dma source(%dma_start3A_4 : memref<8192x1024xf32, #tpu.memory_space<hbm>>) target(%arg6 : memref<64x1024xf32, #tpu.memory_space<vmem>>) offsets(%arg5 : memref<64xi32, #tpu.memory_space<vmem>>) semaphore(%arg7 : memref<!tpu.dma_semaphore, #tpu.memory_space<semaphore_mem>>)
    %dma_wait3A = arith.constant 0 : i32
    %dma_wait3A_5 = arith.constant 0 : i32
    %dma_wait3A_6 = tpu.memref_slice %arg2[%dma_wait3A, %dma_wait3A_5] : memref<8192x1024xf32, #tpu.memory_space<hbm>> -> memref<8192x1024xf32, #tpu.memory_space<hbm>>
    tpu.wait_indirect_dma semaphore(%arg7 : memref<!tpu.dma_semaphore, #tpu.memory_space<semaphore_mem>>) src(%dma_wait3A_6 : memref<8192x1024xf32, #tpu.memory_space<hbm>>) dst(%arg6 : memref<64x1024xf32, #tpu.memory_space<vmem>>)
    "tpu.region"() ({
      %run_scoped3A = tpu.sem_alloc : memref<!tpu.dma_semaphore, #tpu.memory_space<semaphore_mem>>
      %dma_start3A_7 = arith.constant 0 : i32
      %dma_start3A_8 = tpu.memref_slice %arg4[%mul3A_2, %dma_start3A_7] : memref<2048x1024xf32, #tpu.memory_space<hbm>> -> memref<64x1024xf32, #tpu.memory_space<hbm>>
      %dma_start3A_9 = arith.constant 0 : i32
      %dma_start3A_10 = tpu.memref_slice %arg4[%mul3A_2, %dma_start3A_9] : memref<2048x1024xf32, #tpu.memory_space<hbm>> -> memref<64x1024xf32, #tpu.memory_space<hbm>>
      tpu.enqueue_dma source(%arg6 : memref<64x1024xf32, #tpu.memory_space<vmem>>) target(%dma_start3A_10 : memref<64x1024xf32, #tpu.memory_space<hbm>>) target_semaphore(%run_scoped3A : memref<!tpu.dma_semaphore, #tpu.memory_space<semaphore_mem>>)
      %dma_wait3A_11 = arith.constant 0 : i32
      %dma_wait3A_12 = tpu.memref_slice %arg4[%mul3A_2, %dma_wait3A_11] : memref<2048x1024xf32, #tpu.memory_space<hbm>> -> memref<64x1024xf32, #tpu.memory_space<hbm>>
      %dma_wait3A_13 = arith.constant 0 : i32
      %dma_wait3A_14 = tpu.memref_slice %arg4[%mul3A_2, %dma_wait3A_13] : memref<2048x1024xf32, #tpu.memory_space<hbm>> -> memref<64x1024xf32, #tpu.memory_space<hbm>>
      tpu.wait_dma2 semaphore(%run_scoped3A : memref<!tpu.dma_semaphore, #tpu.memory_space<semaphore_mem>>) src(%arg6 : memref<64x1024xf32, #tpu.memory_space<vmem>>) dst(%dma_wait3A_14 : memref<64x1024xf32, #tpu.memory_space<hbm>>)
      tpu.yield
    }) : () -> ()
    return
  }
}

#map = affine_map<(d0, d1) -> (0, 0)>
#map1 = affine_map<(d0, d1) -> (0)>
module attributes {stable_mosaic.version = 14 : i64} {
  func.func @_gather_chunk_sc(%arg0: i32, %arg1: i32, %arg2: memref<8192x1024xf32, #tpu.memory_space<hbm>>, %arg3: memref<2048xi32, #tpu.memory_space<hbm>>, %arg4: memref<2048x1024xf32, #tpu.memory_space<hbm>>, %arg5: memref<64xi32, #tpu.memory_space<vmem>>, %arg6: memref<64x1024xf32, #tpu.memory_space<vmem>>, %arg7: memref<!tpu.dma_semaphore, #tpu.memory_space<semaphore_mem>>) attributes {dimension_semantics = [#tpu.dimension_semantics<core_parallel>, #tpu.dimension_semantics<subcore_parallel>], iteration_bounds = array<i64: 2, 16>, scalar_prefetch = 0 : i64, scratch_operands = 3 : i64, tpu.core_type = #tpu.core_type<sc_vector_subcore>, window_params = [{transform_indices = #map}, {transform_indices = #map1}, {transform_indices = #map}]} {
    %mul3A = arith.constant 2 : i32
    %mul3A_0 = arith.muli %arg1, %mul3A : i32
    %add3A = arith.addi %mul3A_0, %arg0 : i32
    %mul3A_1 = arith.constant 64 : i32
    %mul3A_2 = arith.muli %add3A, %mul3A_1 : i32
    "tpu.region"() ({
      %run_scoped3A = tpu.sem_alloc : memref<!tpu.dma_semaphore, #tpu.memory_space<semaphore_mem>>
      %dma_start3A_7 = tpu.memref_slice %arg3[%mul3A_2] : memref<2048xi32, #tpu.memory_space<hbm>> -> memref<64xi32, #tpu.memory_space<hbm>>
      %dma_start3A_8 = tpu.memref_slice %arg3[%mul3A_2] : memref<2048xi32, #tpu.memory_space<hbm>> -> memref<64xi32, #tpu.memory_space<hbm>>
      tpu.enqueue_dma source(%dma_start3A_8 : memref<64xi32, #tpu.memory_space<hbm>>) target(%arg5 : memref<64xi32, #tpu.memory_space<vmem>>) target_semaphore(%run_scoped3A : memref<!tpu.dma_semaphore, #tpu.memory_space<semaphore_mem>>)
      %dma_wait3A_9 = tpu.memref_slice %arg3[%mul3A_2] : memref<2048xi32, #tpu.memory_space<hbm>> -> memref<64xi32, #tpu.memory_space<hbm>>
      %dma_wait3A_10 = tpu.memref_slice %arg3[%mul3A_2] : memref<2048xi32, #tpu.memory_space<hbm>> -> memref<64xi32, #tpu.memory_space<hbm>>
      tpu.wait_dma2 semaphore(%run_scoped3A : memref<!tpu.dma_semaphore, #tpu.memory_space<semaphore_mem>>) src(%dma_wait3A_10 : memref<64xi32, #tpu.memory_space<hbm>>) dst(%arg5 : memref<64xi32, #tpu.memory_space<vmem>>)
      tpu.yield
    }) : () -> ()
    %dma_start3A = arith.constant 0 : i32
    %dma_start3A_3 = arith.constant 0 : i32
    %dma_start3A_4 = tpu.memref_slice %arg2[%dma_start3A, %dma_start3A_3] : memref<8192x1024xf32, #tpu.memory_space<hbm>> -> memref<8192x1024xf32, #tpu.memory_space<hbm>>
    tpu.enqueue_indirect_dma source(%dma_start3A_4 : memref<8192x1024xf32, #tpu.memory_space<hbm>>) target(%arg6 : memref<64x1024xf32, #tpu.memory_space<vmem>>) offsets(%arg5 : memref<64xi32, #tpu.memory_space<vmem>>) semaphore(%arg7 : memref<!tpu.dma_semaphore, #tpu.memory_space<semaphore_mem>>)
    %dma_wait3A = arith.constant 0 : i32
    %dma_wait3A_5 = arith.constant 0 : i32
    %dma_wait3A_6 = tpu.memref_slice %arg2[%dma_wait3A, %dma_wait3A_5] : memref<8192x1024xf32, #tpu.memory_space<hbm>> -> memref<8192x1024xf32, #tpu.memory_space<hbm>>
    tpu.wait_indirect_dma semaphore(%arg7 : memref<!tpu.dma_semaphore, #tpu.memory_space<semaphore_mem>>) src(%dma_wait3A_6 : memref<8192x1024xf32, #tpu.memory_space<hbm>>) dst(%arg6 : memref<64x1024xf32, #tpu.memory_space<vmem>>)
    "tpu.region"() ({
      %run_scoped3A = tpu.sem_alloc : memref<!tpu.dma_semaphore, #tpu.memory_space<semaphore_mem>>
      %dma_start3A_7 = arith.constant 0 : i32
      %dma_start3A_8 = tpu.memref_slice %arg4[%mul3A_2, %dma_start3A_7] : memref<2048x1024xf32, #tpu.memory_space<hbm>> -> memref<64x1024xf32, #tpu.memory_space<hbm>>
      %dma_start3A_9 = arith.constant 0 : i32
      %dma_start3A_10 = tpu.memref_slice %arg4[%mul3A_2, %dma_start3A_9] : memref<2048x1024xf32, #tpu.memory_space<hbm>> -> memref<64x1024xf32, #tpu.memory_space<hbm>>
      tpu.enqueue_dma source(%arg6 : memref<64x1024xf32, #tpu.memory_space<vmem>>) target(%dma_start3A_10 : memref<64x1024xf32, #tpu.memory_space<hbm>>) target_semaphore(%run_scoped3A : memref<!tpu.dma_semaphore, #tpu.memory_space<semaphore_mem>>)
      %dma_wait3A_11 = arith.constant 0 : i32
      %dma_wait3A_12 = tpu.memref_slice %arg4[%mul3A_2, %dma_wait3A_11] : memref<2048x1024xf32, #tpu.memory_space<hbm>> -> memref<64x1024xf32, #tpu.memory_space<hbm>>
      %dma_wait3A_13 = arith.constant 0 : i32
      %dma_wait3A_14 = tpu.memref_slice %arg4[%mul3A_2, %dma_wait3A_13] : memref<2048x1024xf32, #tpu.memory_space<hbm>> -> memref<64x1024xf32, #tpu.memory_space<hbm>>
      tpu.wait_dma2 semaphore(%run_scoped3A : memref<!tpu.dma_semaphore, #tpu.memory_space<semaphore_mem>>) src(%arg6 : memref<64x1024xf32, #tpu.memory_space<vmem>>) dst(%dma_wait3A_14 : memref<64x1024xf32, #tpu.memory_space<hbm>>)
      tpu.yield
    }) : () -> ()
    return
  }
}

#map = affine_map<(d0, d1) -> (0, 0)>
#map1 = affine_map<(d0, d1) -> (0)>
module attributes {stable_mosaic.version = 14 : i64} {
  func.func @_gather_chunk_sc(%arg0: i32, %arg1: i32, %arg2: memref<8192x1024xf32, #tpu.memory_space<hbm>>, %arg3: memref<2048xi32, #tpu.memory_space<hbm>>, %arg4: memref<2048x1024xf32, #tpu.memory_space<hbm>>, %arg5: memref<64xi32, #tpu.memory_space<vmem>>, %arg6: memref<64x1024xf32, #tpu.memory_space<vmem>>, %arg7: memref<!tpu.dma_semaphore, #tpu.memory_space<semaphore_mem>>) attributes {dimension_semantics = [#tpu.dimension_semantics<core_parallel>, #tpu.dimension_semantics<subcore_parallel>], iteration_bounds = array<i64: 2, 16>, scalar_prefetch = 0 : i64, scratch_operands = 3 : i64, tpu.core_type = #tpu.core_type<sc_vector_subcore>, window_params = [{transform_indices = #map}, {transform_indices = #map1}, {transform_indices = #map}]} {
    %mul3A = arith.constant 2 : i32
    %mul3A_0 = arith.muli %arg1, %mul3A : i32
    %add3A = arith.addi %mul3A_0, %arg0 : i32
    %mul3A_1 = arith.constant 64 : i32
    %mul3A_2 = arith.muli %add3A, %mul3A_1 : i32
    "tpu.region"() ({
      %run_scoped3A = tpu.sem_alloc : memref<!tpu.dma_semaphore, #tpu.memory_space<semaphore_mem>>
      %dma_start3A_7 = tpu.memref_slice %arg3[%mul3A_2] : memref<2048xi32, #tpu.memory_space<hbm>> -> memref<64xi32, #tpu.memory_space<hbm>>
      %dma_start3A_8 = tpu.memref_slice %arg3[%mul3A_2] : memref<2048xi32, #tpu.memory_space<hbm>> -> memref<64xi32, #tpu.memory_space<hbm>>
      tpu.enqueue_dma source(%dma_start3A_8 : memref<64xi32, #tpu.memory_space<hbm>>) target(%arg5 : memref<64xi32, #tpu.memory_space<vmem>>) target_semaphore(%run_scoped3A : memref<!tpu.dma_semaphore, #tpu.memory_space<semaphore_mem>>)
      %dma_wait3A_9 = tpu.memref_slice %arg3[%mul3A_2] : memref<2048xi32, #tpu.memory_space<hbm>> -> memref<64xi32, #tpu.memory_space<hbm>>
      %dma_wait3A_10 = tpu.memref_slice %arg3[%mul3A_2] : memref<2048xi32, #tpu.memory_space<hbm>> -> memref<64xi32, #tpu.memory_space<hbm>>
      tpu.wait_dma2 semaphore(%run_scoped3A : memref<!tpu.dma_semaphore, #tpu.memory_space<semaphore_mem>>) src(%dma_wait3A_10 : memref<64xi32, #tpu.memory_space<hbm>>) dst(%arg5 : memref<64xi32, #tpu.memory_space<vmem>>)
      tpu.yield
    }) : () -> ()
    %dma_start3A = arith.constant 0 : i32
    %dma_start3A_3 = arith.constant 0 : i32
    %dma_start3A_4 = tpu.memref_slice %arg2[%dma_start3A, %dma_start3A_3] : memref<8192x1024xf32, #tpu.memory_space<hbm>> -> memref<8192x1024xf32, #tpu.memory_space<hbm>>
    tpu.enqueue_indirect_dma source(%dma_start3A_4 : memref<8192x1024xf32, #tpu.memory_space<hbm>>) target(%arg6 : memref<64x1024xf32, #tpu.memory_space<vmem>>) offsets(%arg5 : memref<64xi32, #tpu.memory_space<vmem>>) semaphore(%arg7 : memref<!tpu.dma_semaphore, #tpu.memory_space<semaphore_mem>>)
    %dma_wait3A = arith.constant 0 : i32
    %dma_wait3A_5 = arith.constant 0 : i32
    %dma_wait3A_6 = tpu.memref_slice %arg2[%dma_wait3A, %dma_wait3A_5] : memref<8192x1024xf32, #tpu.memory_space<hbm>> -> memref<8192x1024xf32, #tpu.memory_space<hbm>>
    tpu.wait_indirect_dma semaphore(%arg7 : memref<!tpu.dma_semaphore, #tpu.memory_space<semaphore_mem>>) src(%dma_wait3A_6 : memref<8192x1024xf32, #tpu.memory_space<hbm>>) dst(%arg6 : memref<64x1024xf32, #tpu.memory_space<vmem>>)
    "tpu.region"() ({
      %run_scoped3A = tpu.sem_alloc : memref<!tpu.dma_semaphore, #tpu.memory_space<semaphore_mem>>
      %dma_start3A_7 = arith.constant 0 : i32
      %dma_start3A_8 = tpu.memref_slice %arg4[%mul3A_2, %dma_start3A_7] : memref<2048x1024xf32, #tpu.memory_space<hbm>> -> memref<64x1024xf32, #tpu.memory_space<hbm>>
      %dma_start3A_9 = arith.constant 0 : i32
      %dma_start3A_10 = tpu.memref_slice %arg4[%mul3A_2, %dma_start3A_9] : memref<2048x1024xf32, #tpu.memory_space<hbm>> -> memref<64x1024xf32, #tpu.memory_space<hbm>>
      tpu.enqueue_dma source(%arg6 : memref<64x1024xf32, #tpu.memory_space<vmem>>) target(%dma_start3A_10 : memref<64x1024xf32, #tpu.memory_space<hbm>>) target_semaphore(%run_scoped3A : memref<!tpu.dma_semaphore, #tpu.memory_space<semaphore_mem>>)
      %dma_wait3A_11 = arith.constant 0 : i32
      %dma_wait3A_12 = tpu.memref_slice %arg4[%mul3A_2, %dma_wait3A_11] : memref<2048x1024xf32, #tpu.memory_space<hbm>> -> memref<64x1024xf32, #tpu.memory_space<hbm>>
      %dma_wait3A_13 = arith.constant 0 : i32
      %dma_wait3A_14 = tpu.memref_slice %arg4[%mul3A_2, %dma_wait3A_13] : memref<2048x1024xf32, #tpu.memory_space<hbm>> -> memref<64x1024xf32, #tpu.memory_space<hbm>>
      tpu.wait_dma2 semaphore(%run_scoped3A : memref<!tpu.dma_semaphore, #tpu.memory_space<semaphore_mem>>) src(%arg6 : memref<64x1024xf32, #tpu.memory_space<vmem>>) dst(%dma_wait3A_14 : memref<64x1024xf32, #tpu.memory_space<hbm>>)
      tpu.yield
    }) : () -> ()
    return
  }
}

#map = affine_map<(d0, d1) -> (0, 0)>
#map1 = affine_map<(d0, d1) -> (0)>
module attributes {stable_mosaic.version = 14 : i64} {
  func.func @_gather_chunk_sc(%arg0: i32, %arg1: i32, %arg2: memref<8192x1024xf32, #tpu.memory_space<hbm>>, %arg3: memref<2048xi32, #tpu.memory_space<hbm>>, %arg4: memref<2048x1024xf32, #tpu.memory_space<hbm>>, %arg5: memref<64xi32, #tpu.memory_space<vmem>>, %arg6: memref<64x1024xf32, #tpu.memory_space<vmem>>, %arg7: memref<!tpu.dma_semaphore, #tpu.memory_space<semaphore_mem>>) attributes {dimension_semantics = [#tpu.dimension_semantics<core_parallel>, #tpu.dimension_semantics<subcore_parallel>], iteration_bounds = array<i64: 2, 16>, scalar_prefetch = 0 : i64, scratch_operands = 3 : i64, tpu.core_type = #tpu.core_type<sc_vector_subcore>, window_params = [{transform_indices = #map}, {transform_indices = #map1}, {transform_indices = #map}]} {
    %mul3A = arith.constant 2 : i32
    %mul3A_0 = arith.muli %arg1, %mul3A : i32
    %add3A = arith.addi %mul3A_0, %arg0 : i32
    %mul3A_1 = arith.constant 64 : i32
    %mul3A_2 = arith.muli %add3A, %mul3A_1 : i32
    "tpu.region"() ({
      %run_scoped3A = tpu.sem_alloc : memref<!tpu.dma_semaphore, #tpu.memory_space<semaphore_mem>>
      %dma_start3A_7 = tpu.memref_slice %arg3[%mul3A_2] : memref<2048xi32, #tpu.memory_space<hbm>> -> memref<64xi32, #tpu.memory_space<hbm>>
      %dma_start3A_8 = tpu.memref_slice %arg3[%mul3A_2] : memref<2048xi32, #tpu.memory_space<hbm>> -> memref<64xi32, #tpu.memory_space<hbm>>
      tpu.enqueue_dma source(%dma_start3A_8 : memref<64xi32, #tpu.memory_space<hbm>>) target(%arg5 : memref<64xi32, #tpu.memory_space<vmem>>) target_semaphore(%run_scoped3A : memref<!tpu.dma_semaphore, #tpu.memory_space<semaphore_mem>>)
      %dma_wait3A_9 = tpu.memref_slice %arg3[%mul3A_2] : memref<2048xi32, #tpu.memory_space<hbm>> -> memref<64xi32, #tpu.memory_space<hbm>>
      %dma_wait3A_10 = tpu.memref_slice %arg3[%mul3A_2] : memref<2048xi32, #tpu.memory_space<hbm>> -> memref<64xi32, #tpu.memory_space<hbm>>
      tpu.wait_dma2 semaphore(%run_scoped3A : memref<!tpu.dma_semaphore, #tpu.memory_space<semaphore_mem>>) src(%dma_wait3A_10 : memref<64xi32, #tpu.memory_space<hbm>>) dst(%arg5 : memref<64xi32, #tpu.memory_space<vmem>>)
      tpu.yield
    }) : () -> ()
    %dma_start3A = arith.constant 0 : i32
    %dma_start3A_3 = arith.constant 0 : i32
    %dma_start3A_4 = tpu.memref_slice %arg2[%dma_start3A, %dma_start3A_3] : memref<8192x1024xf32, #tpu.memory_space<hbm>> -> memref<8192x1024xf32, #tpu.memory_space<hbm>>
    tpu.enqueue_indirect_dma source(%dma_start3A_4 : memref<8192x1024xf32, #tpu.memory_space<hbm>>) target(%arg6 : memref<64x1024xf32, #tpu.memory_space<vmem>>) offsets(%arg5 : memref<64xi32, #tpu.memory_space<vmem>>) semaphore(%arg7 : memref<!tpu.dma_semaphore, #tpu.memory_space<semaphore_mem>>)
    %dma_wait3A = arith.constant 0 : i32
    %dma_wait3A_5 = arith.constant 0 : i32
    %dma_wait3A_6 = tpu.memref_slice %arg2[%dma_wait3A, %dma_wait3A_5] : memref<8192x1024xf32, #tpu.memory_space<hbm>> -> memref<8192x1024xf32, #tpu.memory_space<hbm>>
    tpu.wait_indirect_dma semaphore(%arg7 : memref<!tpu.dma_semaphore, #tpu.memory_space<semaphore_mem>>) src(%dma_wait3A_6 : memref<8192x1024xf32, #tpu.memory_space<hbm>>) dst(%arg6 : memref<64x1024xf32, #tpu.memory_space<vmem>>)
    "tpu.region"() ({
      %run_scoped3A = tpu.sem_alloc : memref<!tpu.dma_semaphore, #tpu.memory_space<semaphore_mem>>
      %dma_start3A_7 = arith.constant 0 : i32
      %dma_start3A_8 = tpu.memref_slice %arg4[%mul3A_2, %dma_start3A_7] : memref<2048x1024xf32, #tpu.memory_space<hbm>> -> memref<64x1024xf32, #tpu.memory_space<hbm>>
      %dma_start3A_9 = arith.constant 0 : i32
      %dma_start3A_10 = tpu.memref_slice %arg4[%mul3A_2, %dma_start3A_9] : memref<2048x1024xf32, #tpu.memory_space<hbm>> -> memref<64x1024xf32, #tpu.memory_space<hbm>>
      tpu.enqueue_dma source(%arg6 : memref<64x1024xf32, #tpu.memory_space<vmem>>) target(%dma_start3A_10 : memref<64x1024xf32, #tpu.memory_space<hbm>>) target_semaphore(%run_scoped3A : memref<!tpu.dma_semaphore, #tpu.memory_space<semaphore_mem>>)
      %dma_wait3A_11 = arith.constant 0 : i32
      %dma_wait3A_12 = tpu.memref_slice %arg4[%mul3A_2, %dma_wait3A_11] : memref<2048x1024xf32, #tpu.memory_space<hbm>> -> memref<64x1024xf32, #tpu.memory_space<hbm>>
      %dma_wait3A_13 = arith.constant 0 : i32
      %dma_wait3A_14 = tpu.memref_slice %arg4[%mul3A_2, %dma_wait3A_13] : memref<2048x1024xf32, #tpu.memory_space<hbm>> -> memref<64x1024xf32, #tpu.memory_space<hbm>>
      tpu.wait_dma2 semaphore(%run_scoped3A : memref<!tpu.dma_semaphore, #tpu.memory_space<semaphore_mem>>) src(%arg6 : memref<64x1024xf32, #tpu.memory_space<vmem>>) dst(%dma_wait3A_14 : memref<64x1024xf32, #tpu.memory_space<hbm>>)
      tpu.yield
    }) : () -> ()
    return
  }
}

module attributes {stable_mosaic.version = 14 : i64} {
  func.func @_add_body(%arg0: i32, %arg1: memref<4x512x1024xf32, #tpu.memory_space<vmem>>, %arg2: memref<512x1024xf32, #tpu.memory_space<vmem>>, %arg3: memref<4x512x1024xf32, #tpu.memory_space<vmem>>) attributes {dimension_semantics = [#tpu.dimension_semantics<arbitrary>], iteration_bounds = array<i64: 4>, scalar_prefetch = 0 : i64, scratch_operands = 0 : i64, tpu.core_type = #tpu.core_type<tc>, window_params = [{transform_indices = @transform_0, window_bounds = array<i64: 4, 512, 1024>}, {transform_indices = @transform_1, window_bounds = array<i64: 512, 1024>}, {transform_indices = @transform_2, window_bounds = array<i64: 4, 512, 1024>}]} {
    %get3A = arith.constant 0 : index
    %get3A_0 = arith.constant 0 : index
    %get3A_1 = arith.constant 0 : index
    %get3A_2 = vector.load %arg1[%get3A, %get3A_0, %get3A_1] : memref<4x512x1024xf32, #tpu.memory_space<vmem>>, vector<4x512x1024xf32>
    %get3A_3 = arith.constant 0 : index
    %get3A_4 = arith.constant 0 : index
    %get3A_5 = vector.load %arg2[%get3A_3, %get3A_4] : memref<512x1024xf32, #tpu.memory_space<vmem>>, vector<512x1024xf32>
    %broadcast_in_dim3A = vector.shape_cast %get3A_5 : vector<512x1024xf32> to vector<1x512x1024xf32>
    %add3A = vector.broadcast %broadcast_in_dim3A : vector<1x512x1024xf32> to vector<4x512x1024xf32>
    %add3A_6 = arith.addf %get3A_2, %add3A : vector<4x512x1024xf32>
    %swap3A = arith.constant 0 : index
    %swap3A_7 = arith.constant 0 : index
    %swap3A_8 = arith.constant 0 : index
    %swap3A_9 = vector.load %arg3[%swap3A, %swap3A_7, %swap3A_8] : memref<4x512x1024xf32, #tpu.memory_space<vmem>>, vector<4x512x1024xf32>
    tpu.vector_store %arg3[%swap3A, %swap3A_7, %swap3A_8], %add3A_6 {strides = array<i32>} : memref<4x512x1024xf32, #tpu.memory_space<vmem>>, vector<4x512x1024xf32>,
    return
  }
  func.func @transform_0(%arg0: i32) -> (i32, i32, i32) {
    %add3A = arith.constant 0 : i32
    %add3A_0 = arith.addi %add3A, %arg0 : i32
    %c0_i32 = arith.constant 0 : i32
    %c0_i32_1 = arith.constant 0 : i32
    %c0_i32_2 = arith.constant 0 : i32
    return %c0_i32, %add3A_0, %c0_i32_1 : i32, i32, i32
  }
  func.func @transform_1(%arg0: i32) -> (i32, i32) {
    %c0_i32 = arith.constant 0 : i32
    %c0_i32_0 = arith.constant 0 : i32
    return %arg0, %c0_i32 : i32, i32
  }
  func.func @transform_2(%arg0: i32) -> (i32, i32, i32) {
    %add3A = arith.constant 0 : i32
    %add3A_0 = arith.addi %add3A, %arg0 : i32
    %c0_i32 = arith.constant 0 : i32
    %c0_i32_1 = arith.constant 0 : i32
    %c0_i32_2 = arith.constant 0 : i32
    return %c0_i32, %add3A_0, %c0_i32_1 : i32, i32, i32
  }
}

module attributes {stable_mosaic.version = 14 : i64} {
  func.func @_add_body_carry(%arg0: i32, %arg1: memref<4x8192x1024xf32, #tpu.memory_space<any>>, %arg2: memref<4x512x1024xf32, #tpu.memory_space<vmem>>, %arg3: memref<512x1024xf32, #tpu.memory_space<vmem>>, %arg4: memref<4x512x1024xf32, #tpu.memory_space<vmem>>) attributes {dimension_semantics = [#tpu.dimension_semantics<arbitrary>], iteration_bounds = array<i64: 4>, scalar_prefetch = 0 : i64, scratch_operands = 0 : i64, tpu.core_type = #tpu.core_type<tc>, window_params = [{}, {transform_indices = @transform_1, window_bounds = array<i64: 4, 512, 1024>}, {transform_indices = @transform_2, window_bounds = array<i64: 512, 1024>}, {transform_indices = @transform_3, window_bounds = array<i64: 4, 512, 1024>}]} {
    %get3A = arith.constant 0 : index
    %get3A_0 = arith.constant 0 : index
    %get3A_1 = arith.constant 0 : index
    %get3A_2 = vector.load %arg2[%get3A, %get3A_0, %get3A_1] : memref<4x512x1024xf32, #tpu.memory_space<vmem>>, vector<4x512x1024xf32>
    %get3A_3 = arith.constant 0 : index
    %get3A_4 = arith.constant 0 : index
    %get3A_5 = vector.load %arg3[%get3A_3, %get3A_4] : memref<512x1024xf32, #tpu.memory_space<vmem>>, vector<512x1024xf32>
    %broadcast_in_dim3A = vector.shape_cast %get3A_5 : vector<512x1024xf32> to vector<1x512x1024xf32>
    %add3A = vector.broadcast %broadcast_in_dim3A : vector<1x512x1024xf32> to vector<4x512x1024xf32>
    %add3A_6 = arith.addf %get3A_2, %add3A : vector<4x512x1024xf32>
    %swap3A = arith.constant 0 : index
    %swap3A_7 = arith.constant 0 : index
    %swap3A_8 = arith.constant 0 : index
    %swap3A_9 = vector.load %arg4[%swap3A, %swap3A_7, %swap3A_8] : memref<4x512x1024xf32, #tpu.memory_space<vmem>>, vector<4x512x1024xf32>
    tpu.vector_store %arg4[%swap3A, %swap3A_7, %swap3A_8], %add3A_6 {strides = array<i32>} : memref<4x512x1024xf32, #tpu.memory_space<vmem>>, vector<4x512x1024xf32>,
    return
  }
  func.func @transform_1(%arg0: i32) -> (i32, i32, i32) {
    %add3A = arith.constant 8 : i32
    %add3A_0 = arith.addi %add3A, %arg0 : i32
    %c0_i32 = arith.constant 0 : i32
    %c0_i32_1 = arith.constant 0 : i32
    %c0_i32_2 = arith.constant 0 : i32
    return %c0_i32, %add3A_0, %c0_i32_1 : i32, i32, i32
  }
  func.func @transform_2(%arg0: i32) -> (i32, i32) {
    %c0_i32 = arith.constant 0 : i32
    %c0_i32_0 = arith.constant 0 : i32
    return %arg0, %c0_i32 : i32, i32
  }
  func.func @transform_3(%arg0: i32) -> (i32, i32, i32) {
    %add3A = arith.constant 8 : i32
    %add3A_0 = arith.addi %add3A, %arg0 : i32
    %c0_i32 = arith.constant 0 : i32
    %c0_i32_1 = arith.constant 0 : i32
    %c0_i32_2 = arith.constant 0 : i32
    return %c0_i32, %add3A_0, %c0_i32_1 : i32, i32, i32
  }
}

module attributes {stable_mosaic.version = 14 : i64} {
  func.func @_add_body_carry(%arg0: i32, %arg1: memref<4x8192x1024xf32, #tpu.memory_space<any>>, %arg2: memref<4x512x1024xf32, #tpu.memory_space<vmem>>, %arg3: memref<512x1024xf32, #tpu.memory_space<vmem>>, %arg4: memref<4x512x1024xf32, #tpu.memory_space<vmem>>) attributes {dimension_semantics = [#tpu.dimension_semantics<arbitrary>], iteration_bounds = array<i64: 4>, scalar_prefetch = 0 : i64, scratch_operands = 0 : i64, tpu.core_type = #tpu.core_type<tc>, window_params = [{}, {transform_indices = @transform_1, window_bounds = array<i64: 4, 512, 1024>}, {transform_indices = @transform_2, window_bounds = array<i64: 512, 1024>}, {transform_indices = @transform_3, window_bounds = array<i64: 4, 512, 1024>}]} {
    %get3A = arith.constant 0 : index
    %get3A_0 = arith.constant 0 : index
    %get3A_1 = arith.constant 0 : index
    %get3A_2 = vector.load %arg2[%get3A, %get3A_0, %get3A_1] : memref<4x512x1024xf32, #tpu.memory_space<vmem>>, vector<4x512x1024xf32>
    %get3A_3 = arith.constant 0 : index
    %get3A_4 = arith.constant 0 : index
    %get3A_5 = vector.load %arg3[%get3A_3, %get3A_4] : memref<512x1024xf32, #tpu.memory_space<vmem>>, vector<512x1024xf32>
    %broadcast_in_dim3A = vector.shape_cast %get3A_5 : vector<512x1024xf32> to vector<1x512x1024xf32>
    %add3A = vector.broadcast %broadcast_in_dim3A : vector<1x512x1024xf32> to vector<4x512x1024xf32>
    %add3A_6 = arith.addf %get3A_2, %add3A : vector<4x512x1024xf32>
    %swap3A = arith.constant 0 : index
    %swap3A_7 = arith.constant 0 : index
    %swap3A_8 = arith.constant 0 : index
    %swap3A_9 = vector.load %arg4[%swap3A, %swap3A_7, %swap3A_8] : memref<4x512x1024xf32, #tpu.memory_space<vmem>>, vector<4x512x1024xf32>
    tpu.vector_store %arg4[%swap3A, %swap3A_7, %swap3A_8], %add3A_6 {strides = array<i32>} : memref<4x512x1024xf32, #tpu.memory_space<vmem>>, vector<4x512x1024xf32>,
    return
  }
  func.func @transform_1(%arg0: i32) -> (i32, i32, i32) {
    %add3A = arith.constant 4 : i32
    %add3A_0 = arith.addi %add3A, %arg0 : i32
    %c0_i32 = arith.constant 0 : i32
    %c0_i32_1 = arith.constant 0 : i32
    %c0_i32_2 = arith.constant 0 : i32
    return %c0_i32, %add3A_0, %c0_i32_1 : i32, i32, i32
  }
  func.func @transform_2(%arg0: i32) -> (i32, i32) {
    %c0_i32 = arith.constant 0 : i32
    %c0_i32_0 = arith.constant 0 : i32
    return %arg0, %c0_i32 : i32, i32
  }
  func.func @transform_3(%arg0: i32) -> (i32, i32, i32) {
    %add3A = arith.constant 4 : i32
    %add3A_0 = arith.addi %add3A, %arg0 : i32
    %c0_i32 = arith.constant 0 : i32
    %c0_i32_1 = arith.constant 0 : i32
    %c0_i32_2 = arith.constant 0 : i32
    return %c0_i32, %add3A_0, %c0_i32_1 : i32, i32, i32
  }
}

module attributes {stable_mosaic.version = 14 : i64} {
  func.func @_add_body_carry(%arg0: i32, %arg1: memref<4x8192x1024xf32, #tpu.memory_space<any>>, %arg2: memref<4x512x1024xf32, #tpu.memory_space<vmem>>, %arg3: memref<512x1024xf32, #tpu.memory_space<vmem>>, %arg4: memref<4x512x1024xf32, #tpu.memory_space<vmem>>) attributes {dimension_semantics = [#tpu.dimension_semantics<arbitrary>], iteration_bounds = array<i64: 4>, scalar_prefetch = 0 : i64, scratch_operands = 0 : i64, tpu.core_type = #tpu.core_type<tc>, window_params = [{}, {transform_indices = @transform_1, window_bounds = array<i64: 4, 512, 1024>}, {transform_indices = @transform_2, window_bounds = array<i64: 512, 1024>}, {transform_indices = @transform_3, window_bounds = array<i64: 4, 512, 1024>}]} {
    %get3A = arith.constant 0 : index
    %get3A_0 = arith.constant 0 : index
    %get3A_1 = arith.constant 0 : index
    %get3A_2 = vector.load %arg2[%get3A, %get3A_0, %get3A_1] : memref<4x512x1024xf32, #tpu.memory_space<vmem>>, vector<4x512x1024xf32>
    %get3A_3 = arith.constant 0 : index
    %get3A_4 = arith.constant 0 : index
    %get3A_5 = vector.load %arg3[%get3A_3, %get3A_4] : memref<512x1024xf32, #tpu.memory_space<vmem>>, vector<512x1024xf32>
    %broadcast_in_dim3A = vector.shape_cast %get3A_5 : vector<512x1024xf32> to vector<1x512x1024xf32>
    %add3A = vector.broadcast %broadcast_in_dim3A : vector<1x512x1024xf32> to vector<4x512x1024xf32>
    %add3A_6 = arith.addf %get3A_2, %add3A : vector<4x512x1024xf32>
    %swap3A = arith.constant 0 : index
    %swap3A_7 = arith.constant 0 : index
    %swap3A_8 = arith.constant 0 : index
    %swap3A_9 = vector.load %arg4[%swap3A, %swap3A_7, %swap3A_8] : memref<4x512x1024xf32, #tpu.memory_space<vmem>>, vector<4x512x1024xf32>
    tpu.vector_store %arg4[%swap3A, %swap3A_7, %swap3A_8], %add3A_6 {strides = array<i32>} : memref<4x512x1024xf32, #tpu.memory_space<vmem>>, vector<4x512x1024xf32>,
    return
  }
  func.func @transform_1(%arg0: i32) -> (i32, i32, i32) {
    %add3A = arith.constant 12 : i32
    %add3A_0 = arith.addi %add3A, %arg0 : i32
    %c0_i32 = arith.constant 0 : i32
    %c0_i32_1 = arith.constant 0 : i32
    %c0_i32_2 = arith.constant 0 : i32
    return %c0_i32, %add3A_0, %c0_i32_1 : i32, i32, i32
  }
  func.func @transform_2(%arg0: i32) -> (i32, i32) {
    %c0_i32 = arith.constant 0 : i32
    %c0_i32_0 = arith.constant 0 : i32
    return %arg0, %c0_i32 : i32, i32
  }
  func.func @transform_3(%arg0: i32) -> (i32, i32, i32) {
    %add3A = arith.constant 12 : i32
    %add3A_0 = arith.addi %add3A, %arg0 : i32
    %c0_i32 = arith.constant 0 : i32
    %c0_i32_1 = arith.constant 0 : i32
    %c0_i32_2 = arith.constant 0 : i32
    return %c0_i32, %add3A_0, %c0_i32_1 : i32, i32, i32
  }
}

</mosaic_0001>

<sc_bundles>
// kernel: kernel.10.cloned.1.call-start
scs
__scs_entry_jumppad:
0x0: {  	(pc) =	sbr.rel $0x88, $3  }
0x1: {  	(tag) =	ssettag $0x0;
	lr =	simm.s32 $0x1  }
0x2: {  	[smem:$0x3F9E] =	sst lr;
	_ =	strace $0xD0000000  }
0x3: {  	_ = 	snop  }
0x4: {  	_ = 	snop  }
0x5: {  	_ = 	snop  }
0x6: {  	_ = 	snop  }
0x7: {  	_ = 	snop  }
__scs_overlays_trampoline_lowered:
0x8: {  	[smem:$0x3FAD] =	sst s0  }
0x9: {  	[smem:$0x3FAE] =	sst s1  }
0xa: {  	[smem:$0x3FAF] =	sst s2  }
0xb: {  	[smem:$0x3FB0] =	sst s3  }
0xc: {  	[smem:$0x3FB1] =	sst s4  }
0xd: {  	[smem:$0x3FB2] =	sst s5  }
0xe: {  	[smem:$0x3FB3] =	sst s6  }
0xf: {  	[smem:$0x3FB4] =	sst s7  }
0x10: {  	[smem:$0x3FB5] =	sst s8  }
0x11: {  	[smem:$0x3FB6] =	sst s9;
	s0 =	simm.s32 @!p0 $0x0  }
0x12: {  	s1 =	sld [smem:$0x3F9C];
	s0 =	simm.s32 @p0 $0x1  }
0x13: {  	[smem:$0x3FB7] =	sst s0;
	s0 =	simm.s32 @!p1 $0x0  }
0x14: {  	s2 =	sld [smem:$0x3F9B];
	s0 =	simm.s32 @p1 $0x1  }
0x15: {  	[smem:$0x3FB8] =	sst s0;
	s0 =	simm.s32 @!p2 $0x0  }
0x16: {  	s3 =	sld [smem:$0x3FDB];
	s0 =	simm.s32 @p2 $0x1  }
0x17: {  	s4 =	simm.s32 $0x1BF5;
	[smem:$0x3FBA] =	sst s0  }
0x18: {  	s0 =	sld [smem:$0x3F9D];
	_ =	swait.ge [sflag:s4], $0x0  }
0x19: {  	s7 =	sld [smem:$0x3F9E]  }
0x1a: {  	s8 =	sadd.s32 $0xFFFFE003, lr  }
0x1b: {  	s9 =	sadd.s32 $0xFFFFFEF7, lr;
	s5 =	simm.s32 $0xFFFFFFFF;
	p2 =	slt.u32 s8, $0xFFFFF086  }
0x1c: {  	p1 =	slt.u32 s9, $0xF7A;
	s5 =	simm.s32 @!p2 $0x0  }
0x1d: {  	s5 =	simm.s32 @p1 $0x1;
	p0 =	seq.s32 s7, s2  }
0x1e: {  	s7 =	smul.u32 @!p0 $0xF7A, s2;
	p2 =	seq.s32 @!p0 s5, $0x0  }
0x1f: {  	s9 =	smul.u32 $0xF7A, s1;
	s8 =	simm.s32 @!p0 $0x1BF5;
	p2 =	por !p2, p0  }
0x20: {  	[sflag:s8] =	ssyncset.s32 @!p0 $0xFFFFF086;
	s6 =	sadd.s32 @!p0 s3, s7;
	s7 =	simm.s32 @!p0 $0x108  }
0x21: {  	s3 =	sadd.s32 s3, s9;
	s6 =	sadd.s32 @!p0 $0x88, s6;
	s7 =	simm.s32 @p2 $0x1082  }
0x22: {  	[simem:s7], [sflag:s8] =	dma.local @!p0 [hbm:s6], $0xF7A  }
0x23: {  	s9 =	sor.u32 $0xD0000000, s2;
	s6 =	simm.s32 $0x108;
	_ =	swait.ge @!p0 [sflag:s8], $0x0  }
0x24: {  	s3 =	sadd.s32 $0x88, s3;
	s6 =	simm.s32 @!p1 $0x1082;
	[sflag:s4] =	ssyncset.s32 $0xFFFFF086  }
0x25: {  	[simem:s6], [sflag:s4] =	dma.local [hbm:s3], $0xF7A  }
0x26: {  	[smem:$0x3F9E] =	sst s1;
	(tag) =	ssettag s2;
	_ =	strace s9  }
0x27: {  	s1 =	sld [smem:$0x3FAE]  }
0x28: {  	s2 =	sld [smem:$0x3FAF]  }
0x29: {  	s4 =	sld [smem:$0x3FB1]  }
0x2a: {  	p0 =	seq.s32 s5, $0x0;
	s5 =	sld [smem:$0x3FB2]  }
0x2b: {  	s6 =	sld [smem:$0x3FB3]  }
0x2c: {  	s7 =	sld [smem:$0x3FB4]  }
0x2d: {  	s3 =	simm.s32 $0x108;
	s8 =	sld [smem:$0x3FB5]  }
0x2e: {  	s3 =	simm.s32 @!p0 $0x1082;
	s9 =	sld [smem:$0x3FB6]  }
0x2f: {  	lr =	sadd.s32 s0, s3;
	s0 =	sld [smem:$0x3FAD]  }
0x30: {  	s3 =	sld [smem:$0x3FB0]  }
0x31: {  	[smem:$0x3FB9] =	sst s10  }
0x32: {  	s10 =	sld [smem:$0x3FB7];
	_ =	sdelay $0x3  }
0x33: {  	p0 =	seq.s32 s10, $0x1;
	s10 =	sld [smem:$0x3FB9];
	_ =	sdelay $0x3  }
0x34: {  	[smem:$0x3FB9] =	sst s10  }
0x35: {  	s10 =	sld [smem:$0x3FB8];
	_ =	sdelay $0x3  }
0x36: {  	p1 =	seq.s32 s10, $0x1;
	s10 =	sld [smem:$0x3FB9];
	_ =	sdelay $0x3  }
0x37: {  	[smem:$0x3FB9] =	sst s10  }
0x38: {  	s10 =	sld [smem:$0x3FBA]  }
0x39: {  	_ = 	snop;
	(pc) =	sbr.ind lr, $3  }
0x3a: {  	_ = 	snop  }
0x3b: {  	_ = 	snop  }
0x3c: {  	p2 =	seq.s32 s10, $0x1;
	s10 =	sld [smem:$0x3FB9]  }
0x3d: {  	_ =	shalt  }
0x3e: {  	_ =	shalt  }
0x3f: {  	_ =	shalt  }
0x40: {  	_ =	shalt  }
0x41: {  	_ =	shalt  }
0x42: {  	_ =	shalt  }
0x43: {  	_ =	shalt  }
0x44: {  	_ =	shalt  }
0x45: {  	_ =	shalt  }
0x46: {  	_ =	shalt  }
0x47: {  	_ =	shalt  }
0x48: {  	_ =	shalt  }
0x49: {  	_ =	shalt  }
0x4a: {  	_ =	shalt  }
0x4b: {  	_ =	shalt  }
0x4c: {  	_ =	shalt  }
0x4d: {  	_ =	shalt  }
0x4e: {  	_ =	shalt  }
0x4f: {  	_ =	shalt  }
0x50: {  	_ =	shalt  }
0x51: {  	_ =	shalt  }
0x52: {  	_ =	shalt  }
0x53: {  	_ =	shalt  }
0x54: {  	_ =	shalt  }
0x55: {  	_ =	shalt  }
0x56: {  	_ =	shalt  }
0x57: {  	_ =	shalt  }
0x58: {  	_ =	shalt  }
0x59: {  	_ =	shalt  }
0x5a: {  	_ =	shalt  }
0x5b: {  	_ =	shalt  }
0x5c: {  	_ =	shalt  }
0x5d: {  	_ =	shalt  }
0x5e: {  	_ =	shalt  }
0x5f: {  	_ =	shalt  }
0x60: {  	_ =	shalt  }
0x61: {  	_ =	shalt  }
0x62: {  	_ =	shalt  }
0x63: {  	_ =	shalt  }
0x64: {  	_ =	shalt  }
0x65: {  	_ =	shalt  }
0x66: {  	_ =	shalt  }
0x67: {  	_ =	shalt  }
0x68: {  	_ =	shalt  }
0x69: {  	_ =	shalt  }
0x6a: {  	_ =	shalt  }
0x6b: {  	_ =	shalt  }
0x6c: {  	_ =	shalt  }
0x6d: {  	_ =	shalt  }
0x6e: {  	_ =	shalt  }
0x6f: {  	_ =	shalt  }
0x70: {  	_ =	shalt  }
0x71: {  	_ =	shalt  }
0x72: {  	_ =	shalt  }
0x73: {  	_ =	shalt  }
0x74: {  	_ =	shalt  }
0x75: {  	_ =	shalt  }
0x76: {  	_ =	shalt  }
0x77: {  	_ =	shalt  }
0x78: {  	_ =	shalt  }
0x79: {  	_ =	shalt  }
0x7a: {  	_ =	shalt  }
0x7b: {  	_ =	shalt  }
0x7c: {  	_ =	shalt  }
0x7d: {  	_ =	shalt  }
0x7e: {  	_ =	shalt  }
0x7f: {  	_ =	shalt  }
0x80: {  	_ =	shalt  }
0x81: {  	_ =	shalt  }
0x82: {  	_ =	shalt  }
0x83: {  	_ =	shalt  }
0x84: {  	_ =	shalt  }
0x85: {  	_ =	shalt  }
0x86: {  	_ =	shalt  }
0x87: {  	_ =	shalt  }
.Lfunc_end0:
.L_simem_size_0:
called_computation_lowered:
.L_overlay_start_0:
0x88: {  	s2 =	sld [smem:$0x3FD9]  }
0x89: {  	s3 =	sld [smem:$0x3FFE];
	_ =	sdelay $0x1  }
0x8a: {  	s1 =	srdreg.scid  }
0x8b: {  	s0 =	sand.u32 $0x1, s1  }
0x8c: {  	s17 =	sshll.u32 s0, $0xA;
	s2 =	sadd.s32 s3, s2  }
0x8d: {  	s2 =	sadd.s32 s2, s17  }
0x8e: {  	[smem:$0x3FC5] =	sst s2  }
0x8f: {  	_ = 	snop  }
0x90: {  	s2 =	sld [smem:$0x3FC7]  }
0x91: {  	s18 =	sld [smem:$0x3FD0];
	(tm) =	ssettm $0x1  }
0x92: {  	s4 =	sld [smem:$0x3FFB];
	_ =	sdelay $0x3  }
0x93: {  	_ =	strace s4  }
0x94: {  	s4 =	sld [smem:$0x3FFC];
	_ =	sdelay $0x3  }
0x95: {  	_ =	strace s4  }
0x96: {  	s4 =	sld [smem:$0x3FFD];
	_ =	sdelay $0x3  }
0x97: {  	_ =	strace s4  }
0x98: {  	_ =	strace $0x8FFFFFFF  }
0x99: {  	s19 =	sld [smem:$0x3FDB];
	_ =	sdelay $0x1  }
0x9a: {  	s5 =	simm.s32 $_scs_section_size  }
0x9b: {  	s6 =	simm.s32 $_size__tile_overlayer_lowered;
	s7 =	simm.s32 $_tile_overlayer_lowered  }
0x9c: {  	s22 =	simm.s32 $0x1BFF;
	s21 =	sshll.u32 s7, $0x1;
	s4 =	sadd.s32 s5, s19  }
0x9d: {  	s8 =	simm.s32 $0x0;
	s20 =	sshll.u32 s6, $0x1;
	s6 =	sadd.s32 s21, s4  }
0x9e: {  	[timem:s8], [sflag:s22] =	dma.local [hbm:s6], s20  }
0x9f: {  	_ =	swait.ge [sflag:s22], s20  }
0xa0: {  	s5 =	ssub.s32 $0x0, s20;
	[sflag:s22] =	ssyncset.done $0x0  }
0xa1: {  	[sflag:s22] =	ssyncadd.s32 s5;
	_ =	sdelay $0x1  }
0xa2: {  	s23 =	simm.s32 $0x1B8B  }
0xa3: {  	_ =	swait.ge [sflag:s23], $0x1  }
0xa4: {  	[sflag:s23] =	ssyncset.done $0x0  }
0xa5: {  	s25 =	simm.s32 $0x1B8E;
	s24 =	sld [smem:$0x3FFE];
	[sflag:s23] =	ssyncadd.s32 $0xFFFFFFFF  }
0xa6: {  	s26 =	simm.s32 $execute0_lowered;
	[smem:$0x3FD2] =	sst s25  }
0xa7: {  	s6 =	sshll.u32 s26, $0x1;
	_ =	strace $0x80000046;
	[dreg:$0x1] =	wrdreg $0xFFFFFFFF  }
0xa8: {  	s28 =	simm.s32 $_size_execute0_lowered;
	s4 =	sadd.s32 s4, s6;
	[dreg:$0x0] =	wrdreg $0x0  }
0xa9: {  	s6 =	sshll.u32 s28, $0x1;
	[dreg:$0x2] =	wrdreg s4  }
0xaa: {  	[dreg:$0x3] =	wrdreg s6  }
0xab: {  	[dreg:$0x4] =	wrdreg $0xC0  }
0xac: {  	_ =	task [dreg:s8], $0x5FFFF  }
0xad: {  	[dreg:$0x1] =	wrdreg $0xFFFFFFFF  }
0xae: {  	[dreg:$0x0] =	wrdreg $0x60  }
0xaf: {  	[dreg:$0x2] =	wrdreg s2  }
0xb0: {  	[dreg:$0x3] =	wrdreg s24  }
0xb1: {  	[dreg:$0x4] =	wrdreg s18  }
0xb2: {  	[dreg:$0x5] =	wrdreg $0x9  }
0xb3: {  	_ =	task.clear_ibuf [dreg:s8], $0x6FFFF;
	_ =	strace $0x90000046  }
0xb4: {  	s29 =	simm.s32 $0x9;
	_ =	strace $0x80000048  }
0xb5: {  	_ =	swait.ge [sflag:s29], $0x1  }
0xb6: {  	[sflag:s29] =	ssyncadd.s32 $0xFFFFFFFF  }
0xb7: {  	_ =	strace $0x90000048  }
0xb8: {  	_ =	sfence  }
0xb9: {  	s30 =	sld [smem:$0x0];
	_ =	sdelay $0x2  }
0xba: {  	s31 =	sshll.u32 s1, $0xD;
	s1 =	sshrl.u32 s1, $0x2  }
0xbb: {  	s3 =	sand.u32 $0x4000, s31;
	s1 =	sadd.s32 s1, s30  }
0xbc: {  	s0 =	sor.u32 s3, s0;
	s1 =	sshll.u32 s1, $0x11  }
0xbd: {  	s0 =	sor.u32 s1, s0  }
0xbe: {  	s0 =	sadd.s32 $0x8F2B, s0  }
0xbf: {  	[sflag:s0] =	ssyncadd.remote.s32 $0x1  }
0xc0: {  	_ =	sfence.sel $0xFFFF  }
0xc1: {  	[dreg:$0x0] =	wrdreg $0xFFFFFFFF;
	(pc) =	sbr.abs _section_cstart, $3  }
0xc2: {  	[dreg:$0x1] =	wrdreg $0xFFFFFFFF  }
0xc3: {  	_ =	task.clear_ibuf [dreg:s8], $0x2FFFF;
	_ =	strace $0x9FFFFFFF  }
0xc4: {  	(tm) =	ssettm $0x7FFFFFFF  }
0xc5: {  	_ =	shalt  }
tec
execute0_lowered:
.L_overlay_start_1:
0x0: {  	(tag) =	ssettag $0x1  }
0x1: {  	s1 =	rddreg [dreg:$0x0]  }
0x2: {  	s2 =	srdreg.scid;
	s4 =	rddreg [dreg:$0x1]  }
0x3: {  	s0 =	stileid.u32;
	s6 =	rddreg [dreg:$0x2];
	s17 =	simm.s32 $0x880  }
0x4: {  	s18 =	simm.s32 $0x1080;
	s19 =	simm.s32 $0x1880;
	s21 =	simm.s32 $0x2080  }
0x5: {  	s22 =	simm.s32 $0x2880;
	s23 =	simm.s32 $0x3080;
	s24 =	simm.s32 $0x3880  }
0x6: {  	s8 =	simm.s32 $0x4080;
	s25 =	simm.s32 $0x4880;
	s2 =	sand.u32 $0x1, s2  }
0x7: {  	s26 =	simm.s32 $0x5080;
	s3 =	sshll.u32 s0, $0x7;
	s5 =	sshll.u32 s2, $0x6  }
0x8: {  	s9 =	simm.s32 $0x80;
	s5 =	sor.u32 s5, s3;
	s3 =	simm.s32 $0x0  }
0x9: {  	s11 =	simm.s32 $0x6080;
	s12 =	simm.s32 $0x6880;
	[smem:$0x7FF] =	sst s3  }
0xa: {  	s13 =	simm.s32 $0x7080;
	_ =	strace $0x80000047;
	[dreg:$0x6] =	wrdreg s17  }
0xb: {  	s14 =	simm.s32 $0x7880;
	s15 =	simm.s32 $0x8080;
	[dreg:$0x7] =	wrdreg s18  }
0xc: {  	s28 =	simm.s32 $0xE080;
	s29 =	simm.s32 $0xE880;
	[dreg:$0x8] =	wrdreg s19  }
0xd: {  	s30 =	simm.s32 $0xF080;
	s2 =	ssub.s32 $0x2, s2;
	[dreg:$0x9] =	wrdreg s21  }
0xe: {  	s31 =	simm.s32 $0xF880;
	s20 =	sshrl.u32 s2, $0x1;
	[dreg:$0xa] =	wrdreg s22  }
0xf: {  	s7 =	sshrl.u32 s5, $0x3;
	s5 =	sshll.u32 s5, $0x7;
	[dreg:$0xb] =	wrdreg s23  }
0x10: {  	s2 =	ssub.s32 s2, s20;
	s20 =	simm.s32 $0xA880;
	[dreg:$0xc] =	wrdreg s24  }
0x11: {  	s4 =	sadd.s32 s7, s4;
	s16 =	sadd.s32 s6, s5;
	[dreg:$0xd] =	wrdreg s8  }
0x12: {  	s5 =	sadd.s32 $0x200, s1;
	s6 =	sadd.s32 $0x300, s1;
	[dreg:$0xe] =	wrdreg s25  }
0x13: {  	s7 =	smax.u32 s2, $0x1;
	s8 =	simm.s32 $0x2;
	[dreg:$0xf] =	wrdreg s26  }
0x14: {  	s17 =	simm.s32 $0x9080;
	s18 =	simm.s32 $0x9880;
	s19 =	simm.s32 $0xA080  }
0x15: {  	s21 =	simm.s32 $0xB080;
	s22 =	simm.s32 $0xB880;
	s23 =	simm.s32 $0xC080  }
0x16: {  	v2 =	vlaneseq.u32;
	s24 =	simm.s32 $0xC880;
	s25 =	simm.s32 $0xD080;
	s26 =	simm.s32 $0xD880  }
0x17: {  	vm0 =	vmmov $0xffff;
	v1 =	vshrl.u32 v2, $0x3;
	s2 =	simm.s32 $0x1;
	s4 =	sadd.s32 $0x1A00, s4;
	[dreg:$0x5] =	wrdreg s16  }
0x18: {  	v0 =	vand.u32 $0x7, v2;
	v2 =	vor.u32 $0x8, v2;
	v1 =	vmul.u32 $0x8, v1;
	s16 =	simm.s32 $0x8880;
	[dreg:$0x4] =	wrdreg s4;
	s4 =	sadd.s32 $0x100, s1  }
.LBB2_1:
0x19: {  	s0 =	rddreg [dreg:$0x4]  }
0x1a: {  	[tilespmem:s3], [sflag:$0x2] =	stream.linear.gather [hbm4b:s0+s3], $0x40, $0x38;
	[tilespmem:$0x10080] =	vst v63  }
0x1b: {  	_ =	swait.ge [sflag:s8], $0x40  }
0x1c: {  	[sflag:s8] =	ssyncset.done $0x0  }
0x1d: {  	[sflag:s8] =	ssyncadd.s32 $0xFFFFFFC0  }
0x1e: {  	v3 =	vld [tilespmem:$0x0];
	_ =	sdelay $0x4  }
0x1f: {  	v4 =	vshll.u32 v3, $0x3  }
0x20: {  	v3 =	vand.u32 $0x7, v3;
	v4 =	vand.u32 $0xFFFFFFC0, v4  }
0x21: {  	v3 =	vor.u32 v3, v4  }
0x22: {  	v4 =	vperm.xlane v3, v0;
	_ =	sdelay $0x1  }
0x23: {  	v4 =	vadd.s32 v1, v4;
	_ =	sdelay $0x4  }
0x24: {  	[tilespmem:s9], [sflag:$0x1] =	stream.indirect_vreg.gather [hbm4b:s1+s3], $0x80, v4, vm0, $0xb8;
	[tilespmem:$0x10080] =	vst v63  }
0x25: {  	s0 =	rddreg [dreg:$0x6];
	v3 =	vperm.xlane v3, v2  }
0x26: {  	[tilespmem:s0], [sflag:$0x1] =	stream.indirect_vreg.gather [hbm4b:s4+s3], $0x80, v4, vm0, $0xb8;
	[tilespmem:$0x10080] =	vst v63  }
0x27: {  	s10 =	rddreg [dreg:$0x7];
	v3 =	vadd.s32 v1, v3  }
0x28: {  	[tilespmem:s10], [sflag:$0x1] =	stream.indirect_vreg.gather [hbm4b:s5+s3], $0x80, v4, vm0, $0xb8;
	[tilespmem:$0x10080] =	vst v63  }
0x29: {  	s0 =	rddreg [dreg:$0x8]  }
0x2a: {  	[tilespmem:s0], [sflag:$0x1] =	stream.indirect_vreg.gather [hbm4b:s6+s3], $0x80, v4, vm0, $0xb8;
	[tilespmem:$0x10080] =	vst v63  }
0x2b: {  	s10 =	rddreg [dreg:$0x9]  }
0x2c: {  	[tilespmem:s10], [sflag:$0x1] =	stream.indirect_vreg.gather [hbm4b:s1+s3], $0x80, v3, vm0, $0xb8;
	[tilespmem:$0x10080] =	vst v63  }
0x2d: {  	s0 =	rddreg [dreg:$0xa]  }
0x2e: {  	[tilespmem:s0], [sflag:$0x1] =	stream.indirect_vreg.gather [hbm4b:s4+s3], $0x80, v3, vm0, $0xb8;
	[tilespmem:$0x10080] =	vst v63  }
0x2f: {  	s10 =	rddreg [dreg:$0xb]  }
0x30: {  	[tilespmem:s10], [sflag:$0x1] =	stream.indirect_vreg.gather [hbm4b:s5+s3], $0x80, v3, vm0, $0xb8;
	[tilespmem:$0x10080] =	vst v63  }
0x31: {  	s0 =	rddreg [dreg:$0xc]  }
0x32: {  	[tilespmem:s0], [sflag:$0x1] =	stream.indirect_vreg.gather [hbm4b:s6+s3], $0x80, v3, vm0, $0xb8;
	[tilespmem:$0x10080] =	vst v63  }
0x33: {  	v3 =	vld [tilespmem:$0x10];
	_ =	sdelay $0x4  }
0x34: {  	v61 =	vshll.u32 v3, $0x3  }
0x35: {  	v3 =	vand.u32 $0x7, v3;
	v4 =	vand.u32 $0xFFFFFFC0, v61  }
0x36: {  	v3 =	vor.u32 v3, v4  }
0x37: {  	v4 =	vperm.xlane v3, v0;
	_ =	sdelay $0x1  }
0x38: {  	v4 =	vadd.s32 v1, v4;
	_ =	sdelay $0x3  }
0x39: {  	s0 =	rddreg [dreg:$0xd]  }
0x3a: {  	[tilespmem:s0], [sflag:$0x1] =	stream.indirect_vreg.gather [hbm4b:s1+s3], $0x80, v4, vm0, $0xb8;
	[tilespmem:$0x10080] =	vst v63  }
0x3b: {  	s10 =	rddreg [dreg:$0xe];
	v3 =	vperm.xlane v3, v2  }
0x3c: {  	[tilespmem:s10], [sflag:$0x1] =	stream.indirect_vreg.gather [hbm4b:s4+s3], $0x80, v4, vm0, $0xb8;
	[tilespmem:$0x10080] =	vst v63  }
0x3d: {  	v3 =	vadd.s32 v1, v3;
	s0 =	rddreg [dreg:$0xf]  }
0x3e: {  	[tilespmem:s0], [sflag:$0x1] =	stream.indirect_vreg.gather [hbm4b:s5+s3], $0x80, v4, vm0, $0xb8;
	[tilespmem:$0x10080] =	vst v63  }
0x3f: {  	s10 =	simm.s32 $0x5880  }
0x40: {  	[tilespmem:s10], [sflag:$0x1] =	stream.indirect_vreg.gather [hbm4b:s6+s3], $0x80, v4, vm0, $0xb8;
	[tilespmem:$0x10080] =	vst v63  }
0x41: {  	_ = 	snop  }
0x42: {  	[tilespmem:s11], [sflag:$0x1] =	stream.indirect_vreg.gather [hbm4b:s1+s3], $0x80, v3, vm0, $0xb8;
	[tilespmem:$0x10080] =	vst v63  }
0x43: {  	_ = 	snop  }
0x44: {  	[tilespmem:s12], [sflag:$0x1] =	stream.indirect_vreg.gather [hbm4b:s4+s3], $0x80, v3, vm0, $0xb8;
	[tilespmem:$0x10080] =	vst v63  }
0x45: {  	_ = 	snop  }
0x46: {  	[tilespmem:s13], [sflag:$0x1] =	stream.indirect_vreg.gather [hbm4b:s5+s3], $0x80, v3, vm0, $0xb8;
	[tilespmem:$0x10080] =	vst v63  }
0x47: {  	_ = 	snop  }
0x48: {  	[tilespmem:s14], [sflag:$0x1] =	stream.indirect_vreg.gather [hbm4b:s6+s3], $0x80, v3, vm0, $0xb8;
	[tilespmem:$0x10080] =	vst v63  }
0x49: {  	v3 =	vld [tilespmem:$0x20];
	_ =	sdelay $0x4  }
0x4a: {  	v62 =	vshll.u32 v3, $0x3  }
0x4b: {  	v3 =	vand.u32 $0x7, v3;
	v4 =	vand.u32 $0xFFFFFFC0, v62  }
0x4c: {  	v3 =	vor.u32 v3, v4  }
0x4d: {  	v4 =	vperm.xlane v3, v0;
	_ =	sdelay $0x1  }
0x4e: {  	v4 =	vadd.s32 v1, v4;
	_ =	sdelay $0x4  }
0x4f: {  	[tilespmem:s15], [sflag:$0x1] =	stream.indirect_vreg.gather [hbm4b:s1+s3], $0x80, v4, vm0, $0xb8;
	[tilespmem:$0x10080] =	vst v63  }
0x50: {  	v3 =	vperm.xlane v3, v2  }
0x51: {  	[tilespmem:s16], [sflag:$0x1] =	stream.indirect_vreg.gather [hbm4b:s4+s3], $0x80, v4, vm0, $0xb8;
	[tilespmem:$0x10080] =	vst v63  }
0x52: {  	v3 =	vadd.s32 v1, v3  }
0x53: {  	[tilespmem:s17], [sflag:$0x1] =	stream.indirect_vreg.gather [hbm4b:s5+s3], $0x80, v4, vm0, $0xb8;
	[tilespmem:$0x10080] =	vst v63  }
0x54: {  	_ = 	snop  }
0x55: {  	[tilespmem:s18], [sflag:$0x1] =	stream.indirect_vreg.gather [hbm4b:s6+s3], $0x80, v4, vm0, $0xb8;
	[tilespmem:$0x10080] =	vst v63  }
0x56: {  	_ = 	snop  }
0x57: {  	[tilespmem:s19], [sflag:$0x1] =	stream.indirect_vreg.gather [hbm4b:s1+s3], $0x80, v3, vm0, $0xb8;
	[tilespmem:$0x10080] =	vst v63  }
0x58: {  	_ = 	snop  }
0x59: {  	[tilespmem:s20], [sflag:$0x1] =	stream.indirect_vreg.gather [hbm4b:s4+s3], $0x80, v3, vm0, $0xb8;
	[tilespmem:$0x10080] =	vst v63  }
0x5a: {  	_ = 	snop  }
0x5b: {  	[tilespmem:s21], [sflag:$0x1] =	stream.indirect_vreg.gather [hbm4b:s5+s3], $0x80, v3, vm0, $0xb8;
	[tilespmem:$0x10080] =	vst v63  }
0x5c: {  	_ = 	snop  }
0x5d: {  	[tilespmem:s22], [sflag:$0x1] =	stream.indirect_vreg.gather [hbm4b:s6+s3], $0x80, v3, vm0, $0xb8;
	[tilespmem:$0x10080] =	vst v63  }
0x5e: {  	v3 =	vld [tilespmem:$0x30];
	_ =	sdelay $0x4  }
0x5f: {  	v63 =	vshll.u32 v3, $0x3  }
0x60: {  	v3 =	vand.u32 $0x7, v3;
	v4 =	vand.u32 $0xFFFFFFC0, v63  }
0x61: {  	v3 =	vor.u32 v3, v4  }
0x62: {  	v4 =	vperm.xlane v3, v0;
	_ =	sdelay $0x1  }
0x63: {  	v4 =	vadd.s32 v1, v4;
	_ =	sdelay $0x4  }
0x64: {  	[tilespmem:s23], [sflag:$0x1] =	stream.indirect_vreg.gather [hbm4b:s1+s3], $0x80, v4, vm0, $0xb8;
	[tilespmem:$0x10080] =	vst v63  }
0x65: {  	v3 =	vperm.xlane v3, v2  }
0x66: {  	[tilespmem:s24], [sflag:$0x1] =	stream.indirect_vreg.gather [hbm4b:s4+s3], $0x80, v4, vm0, $0xb8;
	[tilespmem:$0x10080] =	vst v63  }
0x67: {  	v3 =	vadd.s32 v1, v3  }
0x68: {  	[tilespmem:s25], [sflag:$0x1] =	stream.indirect_vreg.gather [hbm4b:s5+s3], $0x80, v4, vm0, $0xb8;
	[tilespmem:$0x10080] =	vst v63  }
0x69: {  	_ = 	snop  }
0x6a: {  	[tilespmem:s26], [sflag:$0x1] =	stream.indirect_vreg.gather [hbm4b:s6+s3], $0x80, v4, vm0, $0xb8;
	[tilespmem:$0x10080] =	vst v63  }
0x6b: {  	_ = 	snop  }
0x6c: {  	[tilespmem:s28], [sflag:$0x1] =	stream.indirect_vreg.gather [hbm4b:s1+s3], $0x80, v3, vm0, $0xb8;
	[tilespmem:$0x10080] =	vst v63  }
0x6d: {  	_ = 	snop  }
0x6e: {  	[tilespmem:s29], [sflag:$0x1] =	stream.indirect_vreg.gather [hbm4b:s4+s3], $0x80, v3, vm0, $0xb8;
	[tilespmem:$0x10080] =	vst v63  }
0x6f: {  	_ = 	snop  }
0x70: {  	[tilespmem:s30], [sflag:$0x1] =	stream.indirect_vreg.gather [hbm4b:s5+s3], $0x80, v3, vm0, $0xb8;
	[tilespmem:$0x10080] =	vst v63  }
0x71: {  	_ = 	snop  }
0x72: {  	[tilespmem:s31], [sflag:$0x1] =	stream.indirect_vreg.gather [hbm4b:s6+s3], $0x80, v3, vm0, $0xb8;
	[tilespmem:$0x10080] =	vst v63  }
0x73: {  	_ =	swait.ge [sflag:s2], $0x10000  }
0x74: {  	p0 =	sne.s32 s7, $0x1;
	[sflag:s2] =	ssyncset.done $0x0  }
.Ltmp0:
0x75: {  	s10 =	rddreg [dreg:$0x5];
	[sflag:s2] =	ssyncadd.s32 $0xFFFF0000;
	(pc) =	sbr.rel @p0 .LBB2_1-.Ltmp0, $4  }
0x76: {  	[hbm4b:s10+s3] =	stream.linear.scatter [tilespmem:s9], [sflag:$0x2], $0x10000, $0x38;
	[tilespmem:$0x10080] =	vst v63  }
0x77: {  	_ =	swait.ge [sflag:s8], $0x10000  }
0x78: {  	[sflag:s8] =	ssyncset.done $0x0  }
0x79: {  	s7 =	sadd.s32 $0xFFFFFFFF, s7;
	[sflag:s8] =	ssyncadd.s32 $0xFFFF0000  }
0x7a: {  	_ =	sfence.sel $0x180000  }
0x7b: {  	[bflag:$0x0] =	sbarrier.arrive $0xFFFF  }
0x7c: {  	_ =	strace $0x90000047  }
0x7d: {  	s0 =	stileid.u32;
	[bflag:$0x2] =	sbarrier.arrive $0xFFFF  }
0x7e: {  	p0 =	sne.s32 s0, $0x0;
	s0 =	rddreg [dreg:$0x3]  }
0x7f: {  	s0 =	sadd.s32 @!p0 $0x100000, s0  }
0x80: {  	[sflag:s0] =	ssyncadd.tile.s32 @!p0 $0x1;
	_ =	shalt  }
.Lfunc_end2:
_tile_overlayer_lowered:
.L_overlay_start_2:
0x81: {  	(tag) =	ssettag $0x2  }
0x82: {  	s0 =	rddreg [dreg:$0x0];
	s2 =	stileid.u32  }
0x83: {  	s1 =	rddreg [dreg:$0x1];
	p0 =	sne.s32 s2, $0x0  }
0x84: {  	s3 =	rddreg [dreg:$0x2];
	[bflag:$0x3] =	sbarrier.arrive $0xFFFF;
	s2 =	simm.s32 @!p0 $0x1C02  }
0x85: {  	[timem:s3], [sflag:s2] =	dma.local @!p0 [hbm:s0], s1  }
0x86: {  	s0 =	simm.s32 @!p0 $0x2  }
0x87: {  	_ =	swait.ge @!p0 [sflag:s0], s1  }
0x88: {  	s1 =	ssub.s32 @!p0 $0x0, s1;
	[sflag:s0] =	ssyncset.done @!p0 $0x0  }
0x89: {  	[sflag:s0] =	ssyncadd.s32 @!p0 s1  }
0x8a: {  	[bflag:$0x3] =	sbarrier.arrive $0xFFFF  }
0x8b: {  	_ =	shalt  }

// kernel: kernel.13.cloned.1.call-start
scs
__scs_entry_jumppad:
0x0: {  	(pc) =	sbr.rel $0x88, $3  }
0x1: {  	(tag) =	ssettag $0x0;
	lr =	simm.s32 $0x1  }
0x2: {  	[smem:$0x3F9E] =	sst lr;
	_ =	strace $0xD0000000  }
0x3: {  	_ = 	snop  }
0x4: {  	_ = 	snop  }
0x5: {  	_ = 	snop  }
0x6: {  	_ = 	snop  }
0x7: {  	_ = 	snop  }
__scs_overlays_trampoline_lowered:
0x8: {  	[smem:$0x3FAD] =	sst s0  }
0x9: {  	[smem:$0x3FAE] =	sst s1  }
0xa: {  	[smem:$0x3FAF] =	sst s2  }
0xb: {  	[smem:$0x3FB0] =	sst s3  }
0xc: {  	[smem:$0x3FB1] =	sst s4  }
0xd: {  	[smem:$0x3FB2] =	sst s5  }
0xe: {  	[smem:$0x3FB3] =	sst s6  }
0xf: {  	[smem:$0x3FB4] =	sst s7  }
0x10: {  	[smem:$0x3FB5] =	sst s8  }
0x11: {  	[smem:$0x3FB6] =	sst s9;
	s0 =	simm.s32 @!p0 $0x0  }
0x12: {  	s1 =	sld [smem:$0x3F9C];
	s0 =	simm.s32 @p0 $0x1  }
0x13: {  	[smem:$0x3FB7] =	sst s0;
	s0 =	simm.s32 @!p1 $0x0  }
0x14: {  	s2 =	sld [smem:$0x3F9B];
	s0 =	simm.s32 @p1 $0x1  }
0x15: {  	[smem:$0x3FB8] =	sst s0;
	s0 =	simm.s32 @!p2 $0x0  }
0x16: {  	s3 =	sld [smem:$0x3FDB];
	s0 =	simm.s32 @p2 $0x1  }
0x17: {  	s4 =	simm.s32 $0x1BF5;
	[smem:$0x3FBA] =	sst s0  }
0x18: {  	s0 =	sld [smem:$0x3F9D];
	_ =	swait.ge [sflag:s4], $0x0  }
0x19: {  	s7 =	sld [smem:$0x3F9E]  }
0x1a: {  	s8 =	sadd.s32 $0xFFFFE003, lr  }
0x1b: {  	s9 =	sadd.s32 $0xFFFFFEF7, lr;
	s5 =	simm.s32 $0xFFFFFFFF;
	p2 =	slt.u32 s8, $0xFFFFF086  }
0x1c: {  	p1 =	slt.u32 s9, $0xF7A;
	s5 =	simm.s32 @!p2 $0x0  }
0x1d: {  	s5 =	simm.s32 @p1 $0x1;
	p0 =	seq.s32 s7, s2  }
0x1e: {  	s7 =	smul.u32 @!p0 $0xF7A, s2;
	p2 =	seq.s32 @!p0 s5, $0x0  }
0x1f: {  	s9 =	smul.u32 $0xF7A, s1;
	s8 =	simm.s32 @!p0 $0x1BF5;
	p2 =	por !p2, p0  }
0x20: {  	[sflag:s8] =	ssyncset.s32 @!p0 $0xFFFFF086;
	s6 =	sadd.s32 @!p0 s3, s7;
	s7 =	simm.s32 @!p0 $0x108  }
0x21: {  	s3 =	sadd.s32 s3, s9;
	s6 =	sadd.s32 @!p0 $0x88, s6;
	s7 =	simm.s32 @p2 $0x1082  }
0x22: {  	[simem:s7], [sflag:s8] =	dma.local @!p0 [hbm:s6], $0xF7A  }
0x23: {  	s9 =	sor.u32 $0xD0000000, s2;
	s6 =	simm.s32 $0x108;
	_ =	swait.ge @!p0 [sflag:s8], $0x0  }
0x24: {  	s3 =	sadd.s32 $0x88, s3;
	s6 =	simm.s32 @!p1 $0x1082;
	[sflag:s4] =	ssyncset.s32 $0xFFFFF086  }
0x25: {  	[simem:s6], [sflag:s4] =	dma.local [hbm:s3], $0xF7A  }
0x26: {  	[smem:$0x3F9E] =	sst s1;
	(tag) =	ssettag s2;
	_ =	strace s9  }
0x27: {  	s1 =	sld [smem:$0x3FAE]  }
0x28: {  	s2 =	sld [smem:$0x3FAF]  }
0x29: {  	s4 =	sld [smem:$0x3FB1]  }
0x2a: {  	p0 =	seq.s32 s5, $0x0;
	s5 =	sld [smem:$0x3FB2]  }
0x2b: {  	s6 =	sld [smem:$0x3FB3]  }
0x2c: {  	s7 =	sld [smem:$0x3FB4]  }
0x2d: {  	s3 =	simm.s32 $0x108;
	s8 =	sld [smem:$0x3FB5]  }
0x2e: {  	s3 =	simm.s32 @!p0 $0x1082;
	s9 =	sld [smem:$0x3FB6]  }
0x2f: {  	lr =	sadd.s32 s0, s3;
	s0 =	sld [smem:$0x3FAD]  }
0x30: {  	s3 =	sld [smem:$0x3FB0]  }
0x31: {  	[smem:$0x3FB9] =	sst s10  }
0x32: {  	s10 =	sld [smem:$0x3FB7];
	_ =	sdelay $0x3  }
0x33: {  	p0 =	seq.s32 s10, $0x1;
	s10 =	sld [smem:$0x3FB9];
	_ =	sdelay $0x3  }
0x34: {  	[smem:$0x3FB9] =	sst s10  }
0x35: {  	s10 =	sld [smem:$0x3FB8];
	_ =	sdelay $0x3  }
0x36: {  	p1 =	seq.s32 s10, $0x1;
	s10 =	sld [smem:$0x3FB9];
	_ =	sdelay $0x3  }
0x37: {  	[smem:$0x3FB9] =	sst s10  }
0x38: {  	s10 =	sld [smem:$0x3FBA]  }
0x39: {  	_ = 	snop;
	(pc) =	sbr.ind lr, $3  }
0x3a: {  	_ = 	snop  }
0x3b: {  	_ = 	snop  }
0x3c: {  	p2 =	seq.s32 s10, $0x1;
	s10 =	sld [smem:$0x3FB9]  }
0x3d: {  	_ =	shalt  }
0x3e: {  	_ =	shalt  }
0x3f: {  	_ =	shalt  }
0x40: {  	_ =	shalt  }
0x41: {  	_ =	shalt  }
0x42: {  	_ =	shalt  }
0x43: {  	_ =	shalt  }
0x44: {  	_ =	shalt  }
0x45: {  	_ =	shalt  }
0x46: {  	_ =	shalt  }
0x47: {  	_ =	shalt  }
0x48: {  	_ =	shalt  }
0x49: {  	_ =	shalt  }
0x4a: {  	_ =	shalt  }
0x4b: {  	_ =	shalt  }
0x4c: {  	_ =	shalt  }
0x4d: {  	_ =	shalt  }
0x4e: {  	_ =	shalt  }
0x4f: {  	_ =	shalt  }
0x50: {  	_ =	shalt  }
0x51: {  	_ =	shalt  }
0x52: {  	_ =	shalt  }
0x53: {  	_ =	shalt  }
0x54: {  	_ =	shalt  }
0x55: {  	_ =	shalt  }
0x56: {  	_ =	shalt  }
0x57: {  	_ =	shalt  }
0x58: {  	_ =	shalt  }
0x59: {  	_ =	shalt  }
0x5a: {  	_ =	shalt  }
0x5b: {  	_ =	shalt  }
0x5c: {  	_ =	shalt  }
0x5d: {  	_ =	shalt  }
0x5e: {  	_ =	shalt  }
0x5f: {  	_ =	shalt  }
0x60: {  	_ =	shalt  }
0x61: {  	_ =	shalt  }
0x62: {  	_ =	shalt  }
0x63: {  	_ =	shalt  }
0x64: {  	_ =	shalt  }
0x65: {  	_ =	shalt  }
0x66: {  	_ =	shalt  }
0x67: {  	_ =	shalt  }
0x68: {  	_ =	shalt  }
0x69: {  	_ =	shalt  }
0x6a: {  	_ =	shalt  }
0x6b: {  	_ =	shalt  }
0x6c: {  	_ =	shalt  }
0x6d: {  	_ =	shalt  }
0x6e: {  	_ =	shalt  }
0x6f: {  	_ =	shalt  }
0x70: {  	_ =	shalt  }
0x71: {  	_ =	shalt  }
0x72: {  	_ =	shalt  }
0x73: {  	_ =	shalt  }
0x74: {  	_ =	shalt  }
0x75: {  	_ =	shalt  }
0x76: {  	_ =	shalt  }
0x77: {  	_ =	shalt  }
0x78: {  	_ =	shalt  }
0x79: {  	_ =	shalt  }
0x7a: {  	_ =	shalt  }
0x7b: {  	_ =	shalt  }
0x7c: {  	_ =	shalt  }
0x7d: {  	_ =	shalt  }
0x7e: {  	_ =	shalt  }
0x7f: {  	_ =	shalt  }
0x80: {  	_ =	shalt  }
0x81: {  	_ =	shalt  }
0x82: {  	_ =	shalt  }
0x83: {  	_ =	shalt  }
0x84: {  	_ =	shalt  }
0x85: {  	_ =	shalt  }
0x86: {  	_ =	shalt  }
0x87: {  	_ =	shalt  }
.Lfunc_end0:
.L_simem_size_0:
called_computation.1_lowered:
.L_overlay_start_0:
0x88: {  	s2 =	sld [smem:$0x3FD9]  }
0x89: {  	s3 =	sld [smem:$0x3FFE];
	_ =	sdelay $0x1  }
0x8a: {  	s1 =	srdreg.scid  }
0x8b: {  	s0 =	sand.u32 $0x1, s1  }
0x8c: {  	s17 =	sshll.u32 s0, $0xA;
	s2 =	sadd.s32 s3, s2  }
0x8d: {  	s2 =	sadd.s32 s2, s17  }
0x8e: {  	[smem:$0x3FC5] =	sst s2  }
0x8f: {  	_ = 	snop  }
0x90: {  	s18 =	sld [smem:$0x3FC7];
	(tm) =	ssettm $0x1  }
0x91: {  	s19 =	sld [smem:$0x3FFB];
	_ =	sdelay $0x3  }
0x92: {  	_ =	strace s19  }
0x93: {  	s2 =	sld [smem:$0x3FFC];
	_ =	sdelay $0x3  }
0x94: {  	_ =	strace s2  }
0x95: {  	s2 =	sld [smem:$0x3FFD];
	_ =	sdelay $0x3  }
0x96: {  	_ =	strace s2  }
0x97: {  	_ =	strace $0x8FFFFFFF  }
0x98: {  	s20 =	sld [smem:$0x3FDB];
	_ =	sdelay $0x1  }
0x99: {  	s4 =	simm.s32 $_scs_section_size  }
0x9a: {  	s5 =	simm.s32 $_size__tile_overlayer_lowered;
	s6 =	simm.s32 $_tile_overlayer_lowered  }
0x9b: {  	s7 =	simm.s32 $0x1BFF;
	s21 =	sshll.u32 s6, $0x1;
	s4 =	sadd.s32 s4, s20  }
0x9c: {  	s22 =	simm.s32 $0x0;
	s5 =	sshll.u32 s5, $0x1;
	s6 =	sadd.s32 s21, s4  }
0x9d: {  	[timem:s22], [sflag:s7] =	dma.local [hbm:s6], s5  }
0x9e: {  	_ =	swait.ge [sflag:s7], s5  }
0x9f: {  	s5 =	ssub.s32 $0x0, s5;
	[sflag:s7] =	ssyncset.done $0x0  }
0xa0: {  	[sflag:s7] =	ssyncadd.s32 s5;
	_ =	sdelay $0x1  }
0xa1: {  	s23 =	simm.s32 $0x1B8B  }
0xa2: {  	_ =	swait.ge [sflag:s23], $0x1  }
0xa3: {  	[sflag:s23] =	ssyncset.done $0x0  }
0xa4: {  	[sflag:s23] =	ssyncadd.s32 $0xFFFFFFFF  }
0xa5: {  	s5 =	sld [smem:$0x0]  }
0xa6: {  	s6 =	sand.u32 $0xFFFFFFFE, s1  }
0xa7: {  	p0 =	sne.s32 s1, s6  }
0xa8: {  	s6 =	sshll.u32 @p0 s6, $0xE  }
0xa9: {  	s6 =	sadd.s32 @p0 $0x11B8D, s6;
	s7 =	sshll.u32 @p0 s5, $0x11  }
0xaa: {  	s6 =	sor.u32 @p0 s7, s6  }
0xab: {  	[sflag:s6] =	ssyncadd.remote.s32 @p0 $0x1;
	_ =	sdelay $0x1  }
0xac: {  	s6 =	simm.s32 @p0 $0x1B8D  }
0xad: {  	_ =	swait.eq @p0 [sflag:s6], $0x1  }
0xae: {  	[sflag:s6] =	ssyncadd.s32 @p0 $0xFFFFFFFF  }
0xaf: {  	s7 =	sshll.u32 @!p0 s1, $0xE  }
0xb0: {  	s7 =	sor.u32 @!p0 $0x4000, s7;
	s6 =	simm.s32 @!p0 $0x1B8D  }
0xb1: {  	s5 =	sshll.u32 @!p0 s5, $0x11;
	s7 =	sadd.s32 @!p0 $0x11B8D, s7;
	_ =	swait.eq @!p0 [sflag:s6], $0x1  }
0xb2: {  	s5 =	sor.u32 @!p0 s5, s7;
	[sflag:s6] =	ssyncadd.s32 @!p0 $0xFFFFFFFF  }
0xb3: {  	s25 =	simm.s32 $0x1B8E;
	s24 =	sld [smem:$0x3FFE];
	[sflag:s5] =	ssyncadd.remote.s32 @!p0 $0x1  }
0xb4: {  	s26 =	simm.s32 $execute0_lowered;
	[smem:$0x3FD2] =	sst s25  }
0xb5: {  	s6 =	sshll.u32 s26, $0x1;
	_ =	strace $0x80000049;
	[dreg:$0x1] =	wrdreg $0xFFFFFFFF  }
0xb6: {  	s28 =	simm.s32 $_size_execute0_lowered;
	s4 =	sadd.s32 s4, s6;
	[dreg:$0x0] =	wrdreg $0x0  }
0xb7: {  	s6 =	sshll.u32 s28, $0x1;
	[dreg:$0x2] =	wrdreg s4  }
0xb8: {  	[dreg:$0x3] =	wrdreg s6  }
0xb9: {  	[dreg:$0x4] =	wrdreg $0xC0  }
0xba: {  	_ =	task [dreg:s22], $0x5FFFF  }
0xbb: {  	[dreg:$0x1] =	wrdreg $0xFFFFFFFF  }
0xbc: {  	[dreg:$0x0] =	wrdreg $0x60  }
0xbd: {  	[dreg:$0x2] =	wrdreg s18  }
0xbe: {  	[dreg:$0x3] =	wrdreg s24  }
0xbf: {  	[dreg:$0x4] =	wrdreg $0xA  }
0xc0: {  	_ =	task.clear_ibuf [dreg:s22], $0x5FFFF;
	_ =	strace $0x90000049  }
0xc1: {  	s29 =	simm.s32 $0xA;
	_ =	strace $0x8000004B  }
0xc2: {  	_ =	swait.ge [sflag:s29], $0x1  }
0xc3: {  	[sflag:s29] =	ssyncadd.s32 $0xFFFFFFFF  }
0xc4: {  	_ =	strace $0x9000004B  }
0xc5: {  	_ =	sfence  }
0xc6: {  	s30 =	sld [smem:$0x0];
	_ =	sdelay $0x2  }
0xc7: {  	s31 =	sshll.u32 s1, $0xD;
	s1 =	sshrl.u32 s1, $0x2  }
0xc8: {  	s4 =	sand.u32 $0x4000, s31;
	s1 =	sadd.s32 s1, s30  }
0xc9: {  	s0 =	sor.u32 s4, s0;
	s1 =	sshll.u32 s1, $0x11  }
0xca: {  	s0 =	sor.u32 s1, s0  }
0xcb: {  	s0 =	sadd.s32 $0x8F2B, s0  }
0xcc: {  	[sflag:s0] =	ssyncadd.remote.s32 $0x1  }
0xcd: {  	_ =	sfence.sel $0xFFFF  }
0xce: {  	[dreg:$0x0] =	wrdreg $0xFFFFFFFF;
	(pc) =	sbr.abs _section_cstart, $3  }
0xcf: {  	[dreg:$0x1] =	wrdreg $0xFFFFFFFF  }
0xd0: {  	_ =	task.clear_ibuf [dreg:s22], $0x2FFFF;
	_ =	strace $0x9FFFFFFF  }
0xd1: {  	(tm) =	ssettm $0x7FFFFFFF  }
tec
execute0_lowered:
.L_overlay_start_1:
0x0: {  	(tag) =	ssettag $0x1  }
0x1: {  	s1 =	srdreg.scid  }
0x2: {  	s0 =	stileid.u32;
	s2 =	rddreg [dreg:$0x0]  }
0x3: {  	s5 =	rddreg [dreg:$0x1];
	s18 =	simm.s32 $0x880;
	s19 =	simm.s32 $0x1080  }
0x4: {  	s20 =	simm.s32 $0x1880;
	s22 =	simm.s32 $0x2080;
	s23 =	simm.s32 $0x2880  }
0x5: {  	s24 =	simm.s32 $0x3080;
	s7 =	simm.s32 $0x3880;
	s8 =	simm.s32 $0x4080  }
0x6: {  	s25 =	simm.s32 $0x4880;
	s26 =	simm.s32 $0x5080;
	s1 =	sand.u32 $0x1, s1  }
0x7: {  	s9 =	simm.s32 $0x80;
	s3 =	sshll.u32 s0, $0x7;
	s4 =	sshll.u32 s1, $0x6  }
0x8: {  	s11 =	simm.s32 $0x6080;
	s4 =	sor.u32 s4, s3;
	s3 =	simm.s32 $0x0  }
0x9: {  	s12 =	simm.s32 $0x6880;
	s13 =	simm.s32 $0x7080;
	[smem:$0x7FF] =	sst s3  }
0xa: {  	s14 =	simm.s32 $0x7880;
	_ =	strace $0x8000004A;
	[dreg:$0x5] =	wrdreg s18  }
0xb: {  	s15 =	simm.s32 $0x8080;
	s16 =	simm.s32 $0x8880;
	[dreg:$0x6] =	wrdreg s19  }
0xc: {  	s28 =	simm.s32 $0xE080;
	s29 =	simm.s32 $0xE880;
	[dreg:$0x7] =	wrdreg s20  }
0xd: {  	s30 =	simm.s32 $0xF080;
	s1 =	ssub.s32 $0x2, s1;
	[dreg:$0x8] =	wrdreg s22  }
0xe: {  	s31 =	simm.s32 $0xF880;
	s21 =	sshrl.u32 s1, $0x1;
	[dreg:$0x9] =	wrdreg s23  }
0xf: {  	s6 =	sshrl.u32 s4, $0x3;
	s4 =	sshll.u32 s4, $0x7;
	[dreg:$0xa] =	wrdreg s24  }
0x10: {  	s1 =	ssub.s32 s1, s21;
	s21 =	simm.s32 $0xB080;
	[dreg:$0xb] =	wrdreg s7  }
0x11: {  	s6 =	sadd.s32 s6, s5;
	s4 =	sadd.s32 s4, s5;
	[dreg:$0xc] =	wrdreg s8  }
0x12: {  	s5 =	sadd.s32 $0x200, s2;
	s7 =	smax.u32 s1, $0x1;
	[dreg:$0xd] =	wrdreg s25  }
0x13: {  	s8 =	simm.s32 $0x2;
	[dreg:$0xe] =	wrdreg s26;
	s18 =	simm.s32 $0x9880  }
0x14: {  	s19 =	simm.s32 $0xA080;
	s20 =	simm.s32 $0xA880;
	s22 =	simm.s32 $0xB880  }
0x15: {  	s23 =	simm.s32 $0xC080;
	s24 =	simm.s32 $0xC880;
	s25 =	simm.s32 $0xD080  }
0x16: {  	v2 =	vlaneseq.u32;
	s26 =	simm.s32 $0xD880;
	s1 =	simm.s32 $0x1;
	s17 =	sadd.s32 $0x1C00, s6  }
0x17: {  	vm0 =	vmmov $0xffff;
	v1 =	vshrl.u32 v2, $0x3;
	s4 =	sadd.s32 $0x2200, s4;
	s6 =	sadd.s32 $0x300, s2;
	[dreg:$0x3] =	wrdreg s17  }
0x18: {  	v0 =	vand.u32 $0x7, v2;
	v2 =	vor.u32 $0x8, v2;
	v1 =	vmul.u32 $0x8, v1;
	[dreg:$0x4] =	wrdreg s4;
	s4 =	sadd.s32 $0x100, s2;
	s17 =	simm.s32 $0x9080  }
.LBB2_1:
0x19: {  	s0 =	rddreg [dreg:$0x3]  }
0x1a: {  	[tilespmem:s3], [sflag:$0x2] =	stream.linear.gather [hbm4b:s0+s3], $0x40, $0x38;
	[tilespmem:$0x10080] =	vst v63  }
0x1b: {  	_ =	swait.ge [sflag:s8], $0x40  }
0x1c: {  	[sflag:s8] =	ssyncset.done $0x0  }
0x1d: {  	[sflag:s8] =	ssyncadd.s32 $0xFFFFFFC0  }
0x1e: {  	v3 =	vld [tilespmem:$0x0];
	_ =	sdelay $0x4  }
0x1f: {  	v4 =	vshll.u32 v3, $0x3  }
0x20: {  	v3 =	vand.u32 $0x7, v3;
	v4 =	vand.u32 $0xFFFFFFC0, v4  }
0x21: {  	v3 =	vor.u32 v3, v4  }
0x22: {  	v4 =	vperm.xlane v3, v0;
	_ =	sdelay $0x1  }
0x23: {  	v4 =	vadd.s32 v1, v4;
	_ =	sdelay $0x4  }
0x24: {  	[tilespmem:s9], [sflag:$0x1] =	stream.indirect_vreg.gather [hbm4b:s2+s3], $0x80, v4, vm0, $0xb8;
	[tilespmem:$0x10080] =	vst v63  }
0x25: {  	s0 =	rddreg [dreg:$0x5];
	v3 =	vperm.xlane v3, v2  }
0x26: {  	[tilespmem:s0], [sflag:$0x1] =	stream.indirect_vreg.gather [hbm4b:s4+s3], $0x80, v4, vm0, $0xb8;
	[tilespmem:$0x10080] =	vst v63  }
0x27: {  	s10 =	rddreg [dreg:$0x6];
	v3 =	vadd.s32 v1, v3  }
0x28: {  	[tilespmem:s10], [sflag:$0x1] =	stream.indirect_vreg.gather [hbm4b:s5+s3], $0x80, v4, vm0, $0xb8;
	[tilespmem:$0x10080] =	vst v63  }
0x29: {  	s0 =	rddreg [dreg:$0x7]  }
0x2a: {  	[tilespmem:s0], [sflag:$0x1] =	stream.indirect_vreg.gather [hbm4b:s6+s3], $0x80, v4, vm0, $0xb8;
	[tilespmem:$0x10080] =	vst v63  }
0x2b: {  	s10 =	rddreg [dreg:$0x8]  }
0x2c: {  	[tilespmem:s10], [sflag:$0x1] =	stream.indirect_vreg.gather [hbm4b:s2+s3], $0x80, v3, vm0, $0xb8;
	[tilespmem:$0x10080] =	vst v63  }
0x2d: {  	s0 =	rddreg [dreg:$0x9]  }
0x2e: {  	[tilespmem:s0], [sflag:$0x1] =	stream.indirect_vreg.gather [hbm4b:s4+s3], $0x80, v3, vm0, $0xb8;
	[tilespmem:$0x10080] =	vst v63  }
0x2f: {  	s10 =	rddreg [dreg:$0xa]  }
0x30: {  	[tilespmem:s10], [sflag:$0x1] =	stream.indirect_vreg.gather [hbm4b:s5+s3], $0x80, v3, vm0, $0xb8;
	[tilespmem:$0x10080] =	vst v63  }
0x31: {  	s0 =	rddreg [dreg:$0xb]  }
0x32: {  	[tilespmem:s0], [sflag:$0x1] =	stream.indirect_vreg.gather [hbm4b:s6+s3], $0x80, v3, vm0, $0xb8;
	[tilespmem:$0x10080] =	vst v63  }
0x33: {  	v3 =	vld [tilespmem:$0x10];
	_ =	sdelay $0x4  }
0x34: {  	v61 =	vshll.u32 v3, $0x3  }
0x35: {  	v3 =	vand.u32 $0x7, v3;
	v4 =	vand.u32 $0xFFFFFFC0, v61  }
0x36: {  	v3 =	vor.u32 v3, v4  }
0x37: {  	v4 =	vperm.xlane v3, v0;
	_ =	sdelay $0x1  }
0x38: {  	v4 =	vadd.s32 v1, v4;
	_ =	sdelay $0x3  }
0x39: {  	s0 =	rddreg [dreg:$0xc]  }
0x3a: {  	[tilespmem:s0], [sflag:$0x1] =	stream.indirect_vreg.gather [hbm4b:s2+s3], $0x80, v4, vm0, $0xb8;
	[tilespmem:$0x10080] =	vst v63  }
0x3b: {  	s10 =	rddreg [dreg:$0xd];
	v3 =	vperm.xlane v3, v2  }
0x3c: {  	[tilespmem:s10], [sflag:$0x1] =	stream.indirect_vreg.gather [hbm4b:s4+s3], $0x80, v4, vm0, $0xb8;
	[tilespmem:$0x10080] =	vst v63  }
0x3d: {  	v3 =	vadd.s32 v1, v3;
	s0 =	rddreg [dreg:$0xe]  }
0x3e: {  	[tilespmem:s0], [sflag:$0x1] =	stream.indirect_vreg.gather [hbm4b:s5+s3], $0x80, v4, vm0, $0xb8;
	[tilespmem:$0x10080] =	vst v63  }
0x3f: {  	s10 =	simm.s32 $0x5880  }
0x40: {  	[tilespmem:s10], [sflag:$0x1] =	stream.indirect_vreg.gather [hbm4b:s6+s3], $0x80, v4, vm0, $0xb8;
	[tilespmem:$0x10080] =	vst v63  }
0x41: {  	_ = 	snop  }
0x42: {  	[tilespmem:s11], [sflag:$0x1] =	stream.indirect_vreg.gather [hbm4b:s2+s3], $0x80, v3, vm0, $0xb8;
	[tilespmem:$0x10080] =	vst v63  }
0x43: {  	_ = 	snop  }
0x44: {  	[tilespmem:s12], [sflag:$0x1] =	stream.indirect_vreg.gather [hbm4b:s4+s3], $0x80, v3, vm0, $0xb8;
	[tilespmem:$0x10080] =	vst v63  }
0x45: {  	_ = 	snop  }
0x46: {  	[tilespmem:s13], [sflag:$0x1] =	stream.indirect_vreg.gather [hbm4b:s5+s3], $0x80, v3, vm0, $0xb8;
	[tilespmem:$0x10080] =	vst v63  }
0x47: {  	_ = 	snop  }
0x48: {  	[tilespmem:s14], [sflag:$0x1] =	stream.indirect_vreg.gather [hbm4b:s6+s3], $0x80, v3, vm0, $0xb8;
	[tilespmem:$0x10080] =	vst v63  }
0x49: {  	v3 =	vld [tilespmem:$0x20];
	_ =	sdelay $0x4  }
0x4a: {  	v62 =	vshll.u32 v3, $0x3  }
0x4b: {  	v3 =	vand.u32 $0x7, v3;
	v4 =	vand.u32 $0xFFFFFFC0, v62  }
0x4c: {  	v3 =	vor.u32 v3, v4  }
0x4d: {  	v4 =	vperm.xlane v3, v0;
	_ =	sdelay $0x1  }
0x4e: {  	v4 =	vadd.s32 v1, v4;
	_ =	sdelay $0x4  }
0x4f: {  	[tilespmem:s15], [sflag:$0x1] =	stream.indirect_vreg.gather [hbm4b:s2+s3], $0x80, v4, vm0, $0xb8;
	[tilespmem:$0x10080] =	vst v63  }
0x50: {  	v3 =	vperm.xlane v3, v2  }
0x51: {  	[tilespmem:s16], [sflag:$0x1] =	stream.indirect_vreg.gather [hbm4b:s4+s3], $0x80, v4, vm0, $0xb8;
	[tilespmem:$0x10080] =	vst v63  }
0x52: {  	v3 =	vadd.s32 v1, v3  }
0x53: {  	[tilespmem:s17], [sflag:$0x1] =	stream.indirect_vreg.gather [hbm4b:s5+s3], $0x80, v4, vm0, $0xb8;
	[tilespmem:$0x10080] =	vst v63  }
0x54: {  	_ = 	snop  }
0x55: {  	[tilespmem:s18], [sflag:$0x1] =	stream.indirect_vreg.gather [hbm4b:s6+s3], $0x80, v4, vm0, $0xb8;
	[tilespmem:$0x10080] =	vst v63  }
0x56: {  	_ = 	snop  }
0x57: {  	[tilespmem:s19], [sflag:$0x1] =	stream.indirect_vreg.gather [hbm4b:s2+s3], $0x80, v3, vm0, $0xb8;
	[tilespmem:$0x10080] =	vst v63  }
0x58: {  	_ = 	snop  }
0x59: {  	[tilespmem:s20], [sflag:$0x1] =	stream.indirect_vreg.gather [hbm4b:s4+s3], $0x80, v3, vm0, $0xb8;
	[tilespmem:$0x10080] =	vst v63  }
0x5a: {  	_ = 	snop  }
0x5b: {  	[tilespmem:s21], [sflag:$0x1] =	stream.indirect_vreg.gather [hbm4b:s5+s3], $0x80, v3, vm0, $0xb8;
	[tilespmem:$0x10080] =	vst v63  }
0x5c: {  	_ = 	snop  }
0x5d: {  	[tilespmem:s22], [sflag:$0x1] =	stream.indirect_vreg.gather [hbm4b:s6+s3], $0x80, v3, vm0, $0xb8;
	[tilespmem:$0x10080] =	vst v63  }
0x5e: {  	v3 =	vld [tilespmem:$0x30];
	_ =	sdelay $0x4  }
0x5f: {  	v63 =	vshll.u32 v3, $0x3  }
0x60: {  	v3 =	vand.u32 $0x7, v3;
	v4 =	vand.u32 $0xFFFFFFC0, v63  }
0x61: {  	v3 =	vor.u32 v3, v4  }
0x62: {  	v4 =	vperm.xlane v3, v0;
	_ =	sdelay $0x1  }
0x63: {  	v4 =	vadd.s32 v1, v4;
	_ =	sdelay $0x4  }
0x64: {  	[tilespmem:s23], [sflag:$0x1] =	stream.indirect_vreg.gather [hbm4b:s2+s3], $0x80, v4, vm0, $0xb8;
	[tilespmem:$0x10080] =	vst v63  }
0x65: {  	v3 =	vperm.xlane v3, v2  }
0x66: {  	[tilespmem:s24], [sflag:$0x1] =	stream.indirect_vreg.gather [hbm4b:s4+s3], $0x80, v4, vm0, $0xb8;
	[tilespmem:$0x10080] =	vst v63  }
0x67: {  	v3 =	vadd.s32 v1, v3  }
0x68: {  	[tilespmem:s25], [sflag:$0x1] =	stream.indirect_vreg.gather [hbm4b:s5+s3], $0x80, v4, vm0, $0xb8;
	[tilespmem:$0x10080] =	vst v63  }
0x69: {  	_ = 	snop  }
0x6a: {  	[tilespmem:s26], [sflag:$0x1] =	stream.indirect_vreg.gather [hbm4b:s6+s3], $0x80, v4, vm0, $0xb8;
	[tilespmem:$0x10080] =	vst v63  }
0x6b: {  	_ = 	snop  }
0x6c: {  	[tilespmem:s28], [sflag:$0x1] =	stream.indirect_vreg.gather [hbm4b:s2+s3], $0x80, v3, vm0, $0xb8;
	[tilespmem:$0x10080] =	vst v63  }
0x6d: {  	_ = 	snop  }
0x6e: {  	[tilespmem:s29], [sflag:$0x1] =	stream.indirect_vreg.gather [hbm4b:s4+s3], $0x80, v3, vm0, $0xb8;
	[tilespmem:$0x10080] =	vst v63  }
0x6f: {  	_ = 	snop  }
0x70: {  	[tilespmem:s30], [sflag:$0x1] =	stream.indirect_vreg.gather [hbm4b:s5+s3], $0x80, v3, vm0, $0xb8;
	[tilespmem:$0x10080] =	vst v63  }
0x71: {  	_ = 	snop  }
0x72: {  	[tilespmem:s31], [sflag:$0x1] =	stream.indirect_vreg.gather [hbm4b:s6+s3], $0x80, v3, vm0, $0xb8;
	[tilespmem:$0x10080] =	vst v63  }
0x73: {  	_ =	swait.ge [sflag:s1], $0x10000  }
0x74: {  	p0 =	sne.s32 s7, $0x1;
	[sflag:s1] =	ssyncset.done $0x0  }
.Ltmp0:
0x75: {  	s10 =	rddreg [dreg:$0x4];
	[sflag:s1] =	ssyncadd.s32 $0xFFFF0000;
	(pc) =	sbr.rel @p0 .LBB2_1-.Ltmp0, $4  }
0x76: {  	[hbm4b:s10+s3] =	stream.linear.scatter [tilespmem:s9], [sflag:$0x2], $0x10000, $0x38;
	[tilespmem:$0x10080] =	vst v63  }
0x77: {  	_ =	swait.ge [sflag:s8], $0x10000  }
0x78: {  	[sflag:s8] =	ssyncset.done $0x0  }
0x79: {  	s7 =	sadd.s32 $0xFFFFFFFF, s7;
	[sflag:s8] =	ssyncadd.s32 $0xFFFF0000  }
0x7a: {  	_ =	sfence.sel $0x180000  }
0x7b: {  	[bflag:$0x0] =	sbarrier.arrive $0xFFFF  }
0x7c: {  	_ =	strace $0x9000004A  }
0x7d: {  	s0 =	stileid.u32;
	[bflag:$0x2] =	sbarrier.arrive $0xFFFF  }
0x7e: {  	p0 =	sne.s32 s0, $0x0;
	s0 =	rddreg [dreg:$0x2]  }
0x7f: {  	s0 =	sadd.s32 @!p0 $0x100000, s0  }
0x80: {  	[sflag:s0] =	ssyncadd.tile.s32 @!p0 $0x1;
	_ =	shalt  }
.Lfunc_end2:
_tile_overlayer_lowered:
.L_overlay_start_2:
0x81: {  	(tag) =	ssettag $0x2  }
0x82: {  	s0 =	rddreg [dreg:$0x0];
	s2 =	stileid.u32  }
0x83: {  	s1 =	rddreg [dreg:$0x1];
	p0 =	sne.s32 s2, $0x0  }
0x84: {  	s3 =	rddreg [dreg:$0x2];
	[bflag:$0x3] =	sbarrier.arrive $0xFFFF;
	s2 =	simm.s32 @!p0 $0x1C02  }
0x85: {  	[timem:s3], [sflag:s2] =	dma.local @!p0 [hbm:s0], s1  }
0x86: {  	s0 =	simm.s32 @!p0 $0x2  }
0x87: {  	_ =	swait.ge @!p0 [sflag:s0], s1  }
0x88: {  	s1 =	ssub.s32 @!p0 $0x0, s1;
	[sflag:s0] =	ssyncset.done @!p0 $0x0  }
0x89: {  	[sflag:s0] =	ssyncadd.s32 @!p0 s1  }
0x8a: {  	[bflag:$0x3] =	sbarrier.arrive $0xFFFF  }
0x8b: {  	_ =	shalt  }

// kernel: kernel.16.cloned.1.call-start
scs
__scs_entry_jumppad:
0x0: {  	(pc) =	sbr.rel $0x88, $3  }
0x1: {  	(tag) =	ssettag $0x0;
	lr =	simm.s32 $0x1  }
0x2: {  	[smem:$0x3F9E] =	sst lr;
	_ =	strace $0xD0000000  }
0x3: {  	_ = 	snop  }
0x4: {  	_ = 	snop  }
0x5: {  	_ = 	snop  }
0x6: {  	_ = 	snop  }
0x7: {  	_ = 	snop  }
__scs_overlays_trampoline_lowered:
0x8: {  	[smem:$0x3FAD] =	sst s0  }
0x9: {  	[smem:$0x3FAE] =	sst s1  }
0xa: {  	[smem:$0x3FAF] =	sst s2  }
0xb: {  	[smem:$0x3FB0] =	sst s3  }
0xc: {  	[smem:$0x3FB1] =	sst s4  }
0xd: {  	[smem:$0x3FB2] =	sst s5  }
0xe: {  	[smem:$0x3FB3] =	sst s6  }
0xf: {  	[smem:$0x3FB4] =	sst s7  }
0x10: {  	[smem:$0x3FB5] =	sst s8  }
0x11: {  	[smem:$0x3FB6] =	sst s9;
	s0 =	simm.s32 @!p0 $0x0  }
0x12: {  	s1 =	sld [smem:$0x3F9C];
	s0 =	simm.s32 @p0 $0x1  }
0x13: {  	[smem:$0x3FB7] =	sst s0;
	s0 =	simm.s32 @!p1 $0x0  }
0x14: {  	s2 =	sld [smem:$0x3F9B];
	s0 =	simm.s32 @p1 $0x1  }
0x15: {  	[smem:$0x3FB8] =	sst s0;
	s0 =	simm.s32 @!p2 $0x0  }
0x16: {  	s3 =	sld [smem:$0x3FDB];
	s0 =	simm.s32 @p2 $0x1  }
0x17: {  	s4 =	simm.s32 $0x1BF5;
	[smem:$0x3FBA] =	sst s0  }
0x18: {  	s0 =	sld [smem:$0x3F9D];
	_ =	swait.ge [sflag:s4], $0x0  }
0x19: {  	s7 =	sld [smem:$0x3F9E]  }
0x1a: {  	s8 =	sadd.s32 $0xFFFFE003, lr  }
0x1b: {  	s9 =	sadd.s32 $0xFFFFFEF7, lr;
	s5 =	simm.s32 $0xFFFFFFFF;
	p2 =	slt.u32 s8, $0xFFFFF086  }
0x1c: {  	p1 =	slt.u32 s9, $0xF7A;
	s5 =	simm.s32 @!p2 $0x0  }
0x1d: {  	s5 =	simm.s32 @p1 $0x1;
	p0 =	seq.s32 s7, s2  }
0x1e: {  	s7 =	smul.u32 @!p0 $0xF7A, s2;
	p2 =	seq.s32 @!p0 s5, $0x0  }
0x1f: {  	s9 =	smul.u32 $0xF7A, s1;
	s8 =	simm.s32 @!p0 $0x1BF5;
	p2 =	por !p2, p0  }
0x20: {  	[sflag:s8] =	ssyncset.s32 @!p0 $0xFFFFF086;
	s6 =	sadd.s32 @!p0 s3, s7;
	s7 =	simm.s32 @!p0 $0x108  }
0x21: {  	s3 =	sadd.s32 s3, s9;
	s6 =	sadd.s32 @!p0 $0x88, s6;
	s7 =	simm.s32 @p2 $0x1082  }
0x22: {  	[simem:s7], [sflag:s8] =	dma.local @!p0 [hbm:s6], $0xF7A  }
0x23: {  	s9 =	sor.u32 $0xD0000000, s2;
	s6 =	simm.s32 $0x108;
	_ =	swait.ge @!p0 [sflag:s8], $0x0  }
0x24: {  	s3 =	sadd.s32 $0x88, s3;
	s6 =	simm.s32 @!p1 $0x1082;
	[sflag:s4] =	ssyncset.s32 $0xFFFFF086  }
0x25: {  	[simem:s6], [sflag:s4] =	dma.local [hbm:s3], $0xF7A  }
0x26: {  	[smem:$0x3F9E] =	sst s1;
	(tag) =	ssettag s2;
	_ =	strace s9  }
0x27: {  	s1 =	sld [smem:$0x3FAE]  }
0x28: {  	s2 =	sld [smem:$0x3FAF]  }
0x29: {  	s4 =	sld [smem:$0x3FB1]  }
0x2a: {  	p0 =	seq.s32 s5, $0x0;
	s5 =	sld [smem:$0x3FB2]  }
0x2b: {  	s6 =	sld [smem:$0x3FB3]  }
0x2c: {  	s7 =	sld [smem:$0x3FB4]  }
0x2d: {  	s3 =	simm.s32 $0x108;
	s8 =	sld [smem:$0x3FB5]  }
0x2e: {  	s3 =	simm.s32 @!p0 $0x1082;
	s9 =	sld [smem:$0x3FB6]  }
0x2f: {  	lr =	sadd.s32 s0, s3;
	s0 =	sld [smem:$0x3FAD]  }
0x30: {  	s3 =	sld [smem:$0x3FB0]  }
0x31: {  	[smem:$0x3FB9] =	sst s10  }
0x32: {  	s10 =	sld [smem:$0x3FB7];
	_ =	sdelay $0x3  }
0x33: {  	p0 =	seq.s32 s10, $0x1;
	s10 =	sld [smem:$0x3FB9];
	_ =	sdelay $0x3  }
0x34: {  	[smem:$0x3FB9] =	sst s10  }
0x35: {  	s10 =	sld [smem:$0x3FB8];
	_ =	sdelay $0x3  }
0x36: {  	p1 =	seq.s32 s10, $0x1;
	s10 =	sld [smem:$0x3FB9];
	_ =	sdelay $0x3  }
0x37: {  	[smem:$0x3FB9] =	sst s10  }
0x38: {  	s10 =	sld [smem:$0x3FBA]  }
0x39: {  	_ = 	snop;
	(pc) =	sbr.ind lr, $3  }
0x3a: {  	_ = 	snop  }
0x3b: {  	_ = 	snop  }
0x3c: {  	p2 =	seq.s32 s10, $0x1;
	s10 =	sld [smem:$0x3FB9]  }
0x3d: {  	_ =	shalt  }
0x3e: {  	_ =	shalt  }
0x3f: {  	_ =	shalt  }
0x40: {  	_ =	shalt  }
0x41: {  	_ =	shalt  }
0x42: {  	_ =	shalt  }
0x43: {  	_ =	shalt  }
0x44: {  	_ =	shalt  }
0x45: {  	_ =	shalt  }
0x46: {  	_ =	shalt  }
0x47: {  	_ =	shalt  }
0x48: {  	_ =	shalt  }
0x49: {  	_ =	shalt  }
0x4a: {  	_ =	shalt  }
0x4b: {  	_ =	shalt  }
0x4c: {  	_ =	shalt  }
0x4d: {  	_ =	shalt  }
0x4e: {  	_ =	shalt  }
0x4f: {  	_ =	shalt  }
0x50: {  	_ =	shalt  }
0x51: {  	_ =	shalt  }
0x52: {  	_ =	shalt  }
0x53: {  	_ =	shalt  }
0x54: {  	_ =	shalt  }
0x55: {  	_ =	shalt  }
0x56: {  	_ =	shalt  }
0x57: {  	_ =	shalt  }
0x58: {  	_ =	shalt  }
0x59: {  	_ =	shalt  }
0x5a: {  	_ =	shalt  }
0x5b: {  	_ =	shalt  }
0x5c: {  	_ =	shalt  }
0x5d: {  	_ =	shalt  }
0x5e: {  	_ =	shalt  }
0x5f: {  	_ =	shalt  }
0x60: {  	_ =	shalt  }
0x61: {  	_ =	shalt  }
0x62: {  	_ =	shalt  }
0x63: {  	_ =	shalt  }
0x64: {  	_ =	shalt  }
0x65: {  	_ =	shalt  }
0x66: {  	_ =	shalt  }
0x67: {  	_ =	shalt  }
0x68: {  	_ =	shalt  }
0x69: {  	_ =	shalt  }
0x6a: {  	_ =	shalt  }
0x6b: {  	_ =	shalt  }
0x6c: {  	_ =	shalt  }
0x6d: {  	_ =	shalt  }
0x6e: {  	_ =	shalt  }
0x6f: {  	_ =	shalt  }
0x70: {  	_ =	shalt  }
0x71: {  	_ =	shalt  }
0x72: {  	_ =	shalt  }
0x73: {  	_ =	shalt  }
0x74: {  	_ =	shalt  }
0x75: {  	_ =	shalt  }
0x76: {  	_ =	shalt  }
0x77: {  	_ =	shalt  }
0x78: {  	_ =	shalt  }
0x79: {  	_ =	shalt  }
0x7a: {  	_ =	shalt  }
0x7b: {  	_ =	shalt  }
0x7c: {  	_ =	shalt  }
0x7d: {  	_ =	shalt  }
0x7e: {  	_ =	shalt  }
0x7f: {  	_ =	shalt  }
0x80: {  	_ =	shalt  }
0x81: {  	_ =	shalt  }
0x82: {  	_ =	shalt  }
0x83: {  	_ =	shalt  }
0x84: {  	_ =	shalt  }
0x85: {  	_ =	shalt  }
0x86: {  	_ =	shalt  }
0x87: {  	_ =	shalt  }
.Lfunc_end0:
.L_simem_size_0:
called_computation.2_lowered:
.L_overlay_start_0:
0x88: {  	s2 =	sld [smem:$0x3FD9]  }
0x89: {  	s3 =	sld [smem:$0x3FFE];
	_ =	sdelay $0x1  }
0x8a: {  	s1 =	srdreg.scid  }
0x8b: {  	s0 =	sand.u32 $0x1, s1  }
0x8c: {  	s17 =	sshll.u32 s0, $0xA;
	s2 =	sadd.s32 s3, s2  }
0x8d: {  	s2 =	sadd.s32 s2, s17  }
0x8e: {  	[smem:$0x3FC5] =	sst s2  }
0x8f: {  	_ = 	snop  }
0x90: {  	s18 =	sld [smem:$0x3FC7];
	(tm) =	ssettm $0x1  }
0x91: {  	s19 =	sld [smem:$0x3FFB];
	_ =	sdelay $0x3  }
0x92: {  	_ =	strace s19  }
0x93: {  	s2 =	sld [smem:$0x3FFC];
	_ =	sdelay $0x3  }
0x94: {  	_ =	strace s2  }
0x95: {  	s2 =	sld [smem:$0x3FFD];
	_ =	sdelay $0x3  }
0x96: {  	_ =	strace s2  }
0x97: {  	_ =	strace $0x8FFFFFFF  }
0x98: {  	s20 =	sld [smem:$0x3FDB];
	_ =	sdelay $0x1  }
0x99: {  	s4 =	simm.s32 $_scs_section_size  }
0x9a: {  	s5 =	simm.s32 $_size__tile_overlayer_lowered;
	s6 =	simm.s32 $_tile_overlayer_lowered  }
0x9b: {  	s7 =	simm.s32 $0x1BFF;
	s21 =	sshll.u32 s6, $0x1;
	s4 =	sadd.s32 s4, s20  }
0x9c: {  	s22 =	simm.s32 $0x0;
	s5 =	sshll.u32 s5, $0x1;
	s6 =	sadd.s32 s21, s4  }
0x9d: {  	[timem:s22], [sflag:s7] =	dma.local [hbm:s6], s5  }
0x9e: {  	_ =	swait.ge [sflag:s7], s5  }
0x9f: {  	s5 =	ssub.s32 $0x0, s5;
	[sflag:s7] =	ssyncset.done $0x0  }
0xa0: {  	[sflag:s7] =	ssyncadd.s32 s5;
	_ =	sdelay $0x1  }
0xa1: {  	s23 =	simm.s32 $0x1B8B  }
0xa2: {  	_ =	swait.ge [sflag:s23], $0x1  }
0xa3: {  	[sflag:s23] =	ssyncset.done $0x0  }
0xa4: {  	[sflag:s23] =	ssyncadd.s32 $0xFFFFFFFF  }
0xa5: {  	s5 =	sld [smem:$0x0]  }
0xa6: {  	s6 =	sand.u32 $0xFFFFFFFE, s1  }
0xa7: {  	p0 =	sne.s32 s1, s6  }
0xa8: {  	s6 =	sshll.u32 @p0 s6, $0xE  }
0xa9: {  	s6 =	sadd.s32 @p0 $0x11B8D, s6;
	s7 =	sshll.u32 @p0 s5, $0x11  }
0xaa: {  	s6 =	sor.u32 @p0 s7, s6  }
0xab: {  	[sflag:s6] =	ssyncadd.remote.s32 @p0 $0x1;
	_ =	sdelay $0x1  }
0xac: {  	s6 =	simm.s32 @p0 $0x1B8D  }
0xad: {  	_ =	swait.eq @p0 [sflag:s6], $0x1  }
0xae: {  	[sflag:s6] =	ssyncadd.s32 @p0 $0xFFFFFFFF  }
0xaf: {  	s7 =	sshll.u32 @!p0 s1, $0xE  }
0xb0: {  	s7 =	sor.u32 @!p0 $0x4000, s7;
	s6 =	simm.s32 @!p0 $0x1B8D  }
0xb1: {  	s5 =	sshll.u32 @!p0 s5, $0x11;
	s7 =	sadd.s32 @!p0 $0x11B8D, s7;
	_ =	swait.eq @!p0 [sflag:s6], $0x1  }
0xb2: {  	s5 =	sor.u32 @!p0 s5, s7;
	[sflag:s6] =	ssyncadd.s32 @!p0 $0xFFFFFFFF  }
0xb3: {  	s25 =	simm.s32 $0x1B8E;
	s24 =	sld [smem:$0x3FFE];
	[sflag:s5] =	ssyncadd.remote.s32 @!p0 $0x1  }
0xb4: {  	s26 =	simm.s32 $execute0_lowered;
	[smem:$0x3FD2] =	sst s25  }
0xb5: {  	s6 =	sshll.u32 s26, $0x1;
	_ =	strace $0x8000004C;
	[dreg:$0x1] =	wrdreg $0xFFFFFFFF  }
0xb6: {  	s28 =	simm.s32 $_size_execute0_lowered;
	s4 =	sadd.s32 s4, s6;
	[dreg:$0x0] =	wrdreg $0x0  }
0xb7: {  	s6 =	sshll.u32 s28, $0x1;
	[dreg:$0x2] =	wrdreg s4  }
0xb8: {  	[dreg:$0x3] =	wrdreg s6  }
0xb9: {  	[dreg:$0x4] =	wrdreg $0xC0  }
0xba: {  	_ =	task [dreg:s22], $0x5FFFF  }
0xbb: {  	[dreg:$0x1] =	wrdreg $0xFFFFFFFF  }
0xbc: {  	[dreg:$0x0] =	wrdreg $0x60  }
0xbd: {  	[dreg:$0x2] =	wrdreg s18  }
0xbe: {  	[dreg:$0x3] =	wrdreg s24  }
0xbf: {  	[dreg:$0x4] =	wrdreg $0xB  }
0xc0: {  	_ =	task.clear_ibuf [dreg:s22], $0x5FFFF;
	_ =	strace $0x9000004C  }
0xc1: {  	s29 =	simm.s32 $0xB;
	_ =	strace $0x8000004E  }
0xc2: {  	_ =	swait.ge [sflag:s29], $0x1  }
0xc3: {  	[sflag:s29] =	ssyncadd.s32 $0xFFFFFFFF  }
0xc4: {  	_ =	strace $0x9000004E  }
0xc5: {  	_ =	sfence  }
0xc6: {  	s30 =	sld [smem:$0x0];
	_ =	sdelay $0x2  }
0xc7: {  	s31 =	sshll.u32 s1, $0xD;
	s1 =	sshrl.u32 s1, $0x2  }
0xc8: {  	s4 =	sand.u32 $0x4000, s31;
	s1 =	sadd.s32 s1, s30  }
0xc9: {  	s0 =	sor.u32 s4, s0;
	s1 =	sshll.u32 s1, $0x11  }
0xca: {  	s0 =	sor.u32 s1, s0  }
0xcb: {  	s0 =	sadd.s32 $0x8F2B, s0  }
0xcc: {  	[sflag:s0] =	ssyncadd.remote.s32 $0x1  }
0xcd: {  	_ =	sfence.sel $0xFFFF  }
0xce: {  	[dreg:$0x0] =	wrdreg $0xFFFFFFFF;
	(pc) =	sbr.abs _section_cstart, $3  }
0xcf: {  	[dreg:$0x1] =	wrdreg $0xFFFFFFFF  }
0xd0: {  	_ =	task.clear_ibuf [dreg:s22], $0x2FFFF;
	_ =	strace $0x9FFFFFFF  }
0xd1: {  	(tm) =	ssettm $0x7FFFFFFF  }
tec
execute0_lowered:
.L_overlay_start_1:
0x0: {  	(tag) =	ssettag $0x1  }
0x1: {  	s1 =	srdreg.scid  }
0x2: {  	s0 =	stileid.u32;
	s2 =	rddreg [dreg:$0x0]  }
0x3: {  	s5 =	rddreg [dreg:$0x1];
	s18 =	simm.s32 $0x880;
	s19 =	simm.s32 $0x1080  }
0x4: {  	s20 =	simm.s32 $0x1880;
	s22 =	simm.s32 $0x2080;
	s23 =	simm.s32 $0x2880  }
0x5: {  	s24 =	simm.s32 $0x3080;
	s7 =	simm.s32 $0x3880;
	s8 =	simm.s32 $0x4080  }
0x6: {  	s25 =	simm.s32 $0x4880;
	s26 =	simm.s32 $0x5080;
	s1 =	sand.u32 $0x1, s1  }
0x7: {  	s9 =	simm.s32 $0x80;
	s3 =	sshll.u32 s0, $0x7;
	s4 =	sshll.u32 s1, $0x6  }
0x8: {  	s11 =	simm.s32 $0x6080;
	s4 =	sor.u32 s4, s3;
	s3 =	simm.s32 $0x0  }
0x9: {  	s12 =	simm.s32 $0x6880;
	s13 =	simm.s32 $0x7080;
	[smem:$0x7FF] =	sst s3  }
0xa: {  	s14 =	simm.s32 $0x7880;
	_ =	strace $0x8000004D;
	[dreg:$0x5] =	wrdreg s18  }
0xb: {  	s15 =	simm.s32 $0x8080;
	s16 =	simm.s32 $0x8880;
	[dreg:$0x6] =	wrdreg s19  }
0xc: {  	s28 =	simm.s32 $0xE080;
	s29 =	simm.s32 $0xE880;
	[dreg:$0x7] =	wrdreg s20  }
0xd: {  	s30 =	simm.s32 $0xF080;
	s1 =	ssub.s32 $0x2, s1;
	[dreg:$0x8] =	wrdreg s22  }
0xe: {  	s31 =	simm.s32 $0xF880;
	s21 =	sshrl.u32 s1, $0x1;
	[dreg:$0x9] =	wrdreg s23  }
0xf: {  	s6 =	sshrl.u32 s4, $0x3;
	s4 =	sshll.u32 s4, $0x7;
	[dreg:$0xa] =	wrdreg s24  }
0x10: {  	s1 =	ssub.s32 s1, s21;
	s21 =	simm.s32 $0xB080;
	[dreg:$0xb] =	wrdreg s7  }
0x11: {  	s6 =	sadd.s32 s6, s5;
	s4 =	sadd.s32 s4, s5;
	[dreg:$0xc] =	wrdreg s8  }
0x12: {  	s5 =	sadd.s32 $0x200, s2;
	s7 =	smax.u32 s1, $0x1;
	[dreg:$0xd] =	wrdreg s25  }
0x13: {  	s8 =	simm.s32 $0x2;
	[dreg:$0xe] =	wrdreg s26;
	s18 =	simm.s32 $0x9880  }
0x14: {  	s19 =	simm.s32 $0xA080;
	s20 =	simm.s32 $0xA880;
	s22 =	simm.s32 $0xB880  }
0x15: {  	s23 =	simm.s32 $0xC080;
	s24 =	simm.s32 $0xC880;
	s25 =	simm.s32 $0xD080  }
0x16: {  	v2 =	vlaneseq.u32;
	s26 =	simm.s32 $0xD880;
	s1 =	simm.s32 $0x1;
	s17 =	sadd.s32 $0x1E00, s6  }
0x17: {  	vm0 =	vmmov $0xffff;
	v1 =	vshrl.u32 v2, $0x3;
	s4 =	sadd.s32 $0x42200, s4;
	s6 =	sadd.s32 $0x300, s2;
	[dreg:$0x3] =	wrdreg s17  }
0x18: {  	v0 =	vand.u32 $0x7, v2;
	v2 =	vor.u32 $0x8, v2;
	v1 =	vmul.u32 $0x8, v1;
	[dreg:$0x4] =	wrdreg s4;
	s4 =	sadd.s32 $0x100, s2;
	s17 =	simm.s32 $0x9080  }
.LBB2_1:
0x19: {  	s0 =	rddreg [dreg:$0x3]  }
0x1a: {  	[tilespmem:s3], [sflag:$0x2] =	stream.linear.gather [hbm4b:s0+s3], $0x40, $0x38;
	[tilespmem:$0x10080] =	vst v63  }
0x1b: {  	_ =	swait.ge [sflag:s8], $0x40  }
0x1c: {  	[sflag:s8] =	ssyncset.done $0x0  }
0x1d: {  	[sflag:s8] =	ssyncadd.s32 $0xFFFFFFC0  }
0x1e: {  	v3 =	vld [tilespmem:$0x0];
	_ =	sdelay $0x4  }
0x1f: {  	v4 =	vshll.u32 v3, $0x3  }
0x20: {  	v3 =	vand.u32 $0x7, v3;
	v4 =	vand.u32 $0xFFFFFFC0, v4  }
0x21: {  	v3 =	vor.u32 v3, v4  }
0x22: {  	v4 =	vperm.xlane v3, v0;
	_ =	sdelay $0x1  }
0x23: {  	v4 =	vadd.s32 v1, v4;
	_ =	sdelay $0x4  }
0x24: {  	[tilespmem:s9], [sflag:$0x1] =	stream.indirect_vreg.gather [hbm4b:s2+s3], $0x80, v4, vm0, $0xb8;
	[tilespmem:$0x10080] =	vst v63  }
0x25: {  	s0 =	rddreg [dreg:$0x5];
	v3 =	vperm.xlane v3, v2  }
0x26: {  	[tilespmem:s0], [sflag:$0x1] =	stream.indirect_vreg.gather [hbm4b:s4+s3], $0x80, v4, vm0, $0xb8;
	[tilespmem:$0x10080] =	vst v63  }
0x27: {  	s10 =	rddreg [dreg:$0x6];
	v3 =	vadd.s32 v1, v3  }
0x28: {  	[tilespmem:s10], [sflag:$0x1] =	stream.indirect_vreg.gather [hbm4b:s5+s3], $0x80, v4, vm0, $0xb8;
	[tilespmem:$0x10080] =	vst v63  }
0x29: {  	s0 =	rddreg [dreg:$0x7]  }
0x2a: {  	[tilespmem:s0], [sflag:$0x1] =	stream.indirect_vreg.gather [hbm4b:s6+s3], $0x80, v4, vm0, $0xb8;
	[tilespmem:$0x10080] =	vst v63  }
0x2b: {  	s10 =	rddreg [dreg:$0x8]  }
0x2c: {  	[tilespmem:s10], [sflag:$0x1] =	stream.indirect_vreg.gather [hbm4b:s2+s3], $0x80, v3, vm0, $0xb8;
	[tilespmem:$0x10080] =	vst v63  }
0x2d: {  	s0 =	rddreg [dreg:$0x9]  }
0x2e: {  	[tilespmem:s0], [sflag:$0x1] =	stream.indirect_vreg.gather [hbm4b:s4+s3], $0x80, v3, vm0, $0xb8;
	[tilespmem:$0x10080] =	vst v63  }
0x2f: {  	s10 =	rddreg [dreg:$0xa]  }
0x30: {  	[tilespmem:s10], [sflag:$0x1] =	stream.indirect_vreg.gather [hbm4b:s5+s3], $0x80, v3, vm0, $0xb8;
	[tilespmem:$0x10080] =	vst v63  }
0x31: {  	s0 =	rddreg [dreg:$0xb]  }
0x32: {  	[tilespmem:s0], [sflag:$0x1] =	stream.indirect_vreg.gather [hbm4b:s6+s3], $0x80, v3, vm0, $0xb8;
	[tilespmem:$0x10080] =	vst v63  }
0x33: {  	v3 =	vld [tilespmem:$0x10];
	_ =	sdelay $0x4  }
0x34: {  	v61 =	vshll.u32 v3, $0x3  }
0x35: {  	v3 =	vand.u32 $0x7, v3;
	v4 =	vand.u32 $0xFFFFFFC0, v61  }
0x36: {  	v3 =	vor.u32 v3, v4  }
0x37: {  	v4 =	vperm.xlane v3, v0;
	_ =	sdelay $0x1  }
0x38: {  	v4 =	vadd.s32 v1, v4;
	_ =	sdelay $0x3  }
0x39: {  	s0 =	rddreg [dreg:$0xc]  }
0x3a: {  	[tilespmem:s0], [sflag:$0x1] =	stream.indirect_vreg.gather [hbm4b:s2+s3], $0x80, v4, vm0, $0xb8;
	[tilespmem:$0x10080] =	vst v63  }
0x3b: {  	s10 =	rddreg [dreg:$0xd];
	v3 =	vperm.xlane v3, v2  }
0x3c: {  	[tilespmem:s10], [sflag:$0x1] =	stream.indirect_vreg.gather [hbm4b:s4+s3], $0x80, v4, vm0, $0xb8;
	[tilespmem:$0x10080] =	vst v63  }
0x3d: {  	v3 =	vadd.s32 v1, v3;
	s0 =	rddreg [dreg:$0xe]  }
0x3e: {  	[tilespmem:s0], [sflag:$0x1] =	stream.indirect_vreg.gather [hbm4b:s5+s3], $0x80, v4, vm0, $0xb8;
	[tilespmem:$0x10080] =	vst v63  }
0x3f: {  	s10 =	simm.s32 $0x5880  }
0x40: {  	[tilespmem:s10], [sflag:$0x1] =	stream.indirect_vreg.gather [hbm4b:s6+s3], $0x80, v4, vm0, $0xb8;
	[tilespmem:$0x10080] =	vst v63  }
0x41: {  	_ = 	snop  }
0x42: {  	[tilespmem:s11], [sflag:$0x1] =	stream.indirect_vreg.gather [hbm4b:s2+s3], $0x80, v3, vm0, $0xb8;
	[tilespmem:$0x10080] =	vst v63  }
0x43: {  	_ = 	snop  }
0x44: {  	[tilespmem:s12], [sflag:$0x1] =	stream.indirect_vreg.gather [hbm4b:s4+s3], $0x80, v3, vm0, $0xb8;
	[tilespmem:$0x10080] =	vst v63  }
0x45: {  	_ = 	snop  }
0x46: {  	[tilespmem:s13], [sflag:$0x1] =	stream.indirect_vreg.gather [hbm4b:s5+s3], $0x80, v3, vm0, $0xb8;
	[tilespmem:$0x10080] =	vst v63  }
0x47: {  	_ = 	snop  }
0x48: {  	[tilespmem:s14], [sflag:$0x1] =	stream.indirect_vreg.gather [hbm4b:s6+s3], $0x80, v3, vm0, $0xb8;
	[tilespmem:$0x10080] =	vst v63  }
0x49: {  	v3 =	vld [tilespmem:$0x20];
	_ =	sdelay $0x4  }
0x4a: {  	v62 =	vshll.u32 v3, $0x3  }
0x4b: {  	v3 =	vand.u32 $0x7, v3;
	v4 =	vand.u32 $0xFFFFFFC0, v62  }
0x4c: {  	v3 =	vor.u32 v3, v4  }
0x4d: {  	v4 =	vperm.xlane v3, v0;
	_ =	sdelay $0x1  }
0x4e: {  	v4 =	vadd.s32 v1, v4;
	_ =	sdelay $0x4  }
0x4f: {  	[tilespmem:s15], [sflag:$0x1] =	stream.indirect_vreg.gather [hbm4b:s2+s3], $0x80, v4, vm0, $0xb8;
	[tilespmem:$0x10080] =	vst v63  }
0x50: {  	v3 =	vperm.xlane v3, v2  }
0x51: {  	[tilespmem:s16], [sflag:$0x1] =	stream.indirect_vreg.gather [hbm4b:s4+s3], $0x80, v4, vm0, $0xb8;
	[tilespmem:$0x10080] =	vst v63  }
0x52: {  	v3 =	vadd.s32 v1, v3  }
0x53: {  	[tilespmem:s17], [sflag:$0x1] =	stream.indirect_vreg.gather [hbm4b:s5+s3], $0x80, v4, vm0, $0xb8;
	[tilespmem:$0x10080] =	vst v63  }
0x54: {  	_ = 	snop  }
0x55: {  	[tilespmem:s18], [sflag:$0x1] =	stream.indirect_vreg.gather [hbm4b:s6+s3], $0x80, v4, vm0, $0xb8;
	[tilespmem:$0x10080] =	vst v63  }
0x56: {  	_ = 	snop  }
0x57: {  	[tilespmem:s19], [sflag:$0x1] =	stream.indirect_vreg.gather [hbm4b:s2+s3], $0x80, v3, vm0, $0xb8;
	[tilespmem:$0x10080] =	vst v63  }
0x58: {  	_ = 	snop  }
0x59: {  	[tilespmem:s20], [sflag:$0x1] =	stream.indirect_vreg.gather [hbm4b:s4+s3], $0x80, v3, vm0, $0xb8;
	[tilespmem:$0x10080] =	vst v63  }
0x5a: {  	_ = 	snop  }
0x5b: {  	[tilespmem:s21], [sflag:$0x1] =	stream.indirect_vreg.gather [hbm4b:s5+s3], $0x80, v3, vm0, $0xb8;
	[tilespmem:$0x10080] =	vst v63  }
0x5c: {  	_ = 	snop  }
0x5d: {  	[tilespmem:s22], [sflag:$0x1] =	stream.indirect_vreg.gather [hbm4b:s6+s3], $0x80, v3, vm0, $0xb8;
	[tilespmem:$0x10080] =	vst v63  }
0x5e: {  	v3 =	vld [tilespmem:$0x30];
	_ =	sdelay $0x4  }
0x5f: {  	v63 =	vshll.u32 v3, $0x3  }
0x60: {  	v3 =	vand.u32 $0x7, v3;
	v4 =	vand.u32 $0xFFFFFFC0, v63  }
0x61: {  	v3 =	vor.u32 v3, v4  }
0x62: {  	v4 =	vperm.xlane v3, v0;
	_ =	sdelay $0x1  }
0x63: {  	v4 =	vadd.s32 v1, v4;
	_ =	sdelay $0x4  }
0x64: {  	[tilespmem:s23], [sflag:$0x1] =	stream.indirect_vreg.gather [hbm4b:s2+s3], $0x80, v4, vm0, $0xb8;
	[tilespmem:$0x10080] =	vst v63  }
0x65: {  	v3 =	vperm.xlane v3, v2  }
0x66: {  	[tilespmem:s24], [sflag:$0x1] =	stream.indirect_vreg.gather [hbm4b:s4+s3], $0x80, v4, vm0, $0xb8;
	[tilespmem:$0x10080] =	vst v63  }
0x67: {  	v3 =	vadd.s32 v1, v3  }
0x68: {  	[tilespmem:s25], [sflag:$0x1] =	stream.indirect_vreg.gather [hbm4b:s5+s3], $0x80, v4, vm0, $0xb8;
	[tilespmem:$0x10080] =	vst v63  }
0x69: {  	_ = 	snop  }
0x6a: {  	[tilespmem:s26], [sflag:$0x1] =	stream.indirect_vreg.gather [hbm4b:s6+s3], $0x80, v4, vm0, $0xb8;
	[tilespmem:$0x10080] =	vst v63  }
0x6b: {  	_ = 	snop  }
0x6c: {  	[tilespmem:s28], [sflag:$0x1] =	stream.indirect_vreg.gather [hbm4b:s2+s3], $0x80, v3, vm0, $0xb8;
	[tilespmem:$0x10080] =	vst v63  }
0x6d: {  	_ = 	snop  }
0x6e: {  	[tilespmem:s29], [sflag:$0x1] =	stream.indirect_vreg.gather [hbm4b:s4+s3], $0x80, v3, vm0, $0xb8;
	[tilespmem:$0x10080] =	vst v63  }
0x6f: {  	_ = 	snop  }
0x70: {  	[tilespmem:s30], [sflag:$0x1] =	stream.indirect_vreg.gather [hbm4b:s5+s3], $0x80, v3, vm0, $0xb8;
	[tilespmem:$0x10080] =	vst v63  }
0x71: {  	_ = 	snop  }
0x72: {  	[tilespmem:s31], [sflag:$0x1] =	stream.indirect_vreg.gather [hbm4b:s6+s3], $0x80, v3, vm0, $0xb8;
	[tilespmem:$0x10080] =	vst v63  }
0x73: {  	_ =	swait.ge [sflag:s1], $0x10000  }
0x74: {  	p0 =	sne.s32 s7, $0x1;
	[sflag:s1] =	ssyncset.done $0x0  }
.Ltmp0:
0x75: {  	s10 =	rddreg [dreg:$0x4];
	[sflag:s1] =	ssyncadd.s32 $0xFFFF0000;
	(pc) =	sbr.rel @p0 .LBB2_1-.Ltmp0, $4  }
0x76: {  	[hbm4b:s10+s3] =	stream.linear.scatter [tilespmem:s9], [sflag:$0x2], $0x10000, $0x38;
	[tilespmem:$0x10080] =	vst v63  }
0x77: {  	_ =	swait.ge [sflag:s8], $0x10000  }
0x78: {  	[sflag:s8] =	ssyncset.done $0x0  }
0x79: {  	s7 =	sadd.s32 $0xFFFFFFFF, s7;
	[sflag:s8] =	ssyncadd.s32 $0xFFFF0000  }
0x7a: {  	_ =	sfence.sel $0x180000  }
0x7b: {  	[bflag:$0x0] =	sbarrier.arrive $0xFFFF  }
0x7c: {  	_ =	strace $0x9000004D  }
0x7d: {  	s0 =	stileid.u32;
	[bflag:$0x2] =	sbarrier.arrive $0xFFFF  }
0x7e: {  	p0 =	sne.s32 s0, $0x0;
	s0 =	rddreg [dreg:$0x2]  }
0x7f: {  	s0 =	sadd.s32 @!p0 $0x100000, s0  }
0x80: {  	[sflag:s0] =	ssyncadd.tile.s32 @!p0 $0x1;
	_ =	shalt  }
.Lfunc_end2:
_tile_overlayer_lowered:
.L_overlay_start_2:
0x81: {  	(tag) =	ssettag $0x2  }
0x82: {  	s0 =	rddreg [dreg:$0x0];
	s2 =	stileid.u32  }
0x83: {  	s1 =	rddreg [dreg:$0x1];
	p0 =	sne.s32 s2, $0x0  }
0x84: {  	s3 =	rddreg [dreg:$0x2];
	[bflag:$0x3] =	sbarrier.arrive $0xFFFF;
	s2 =	simm.s32 @!p0 $0x1C02  }
0x85: {  	[timem:s3], [sflag:s2] =	dma.local @!p0 [hbm:s0], s1  }
0x86: {  	s0 =	simm.s32 @!p0 $0x2  }
0x87: {  	_ =	swait.ge @!p0 [sflag:s0], s1  }
0x88: {  	s1 =	ssub.s32 @!p0 $0x0, s1;
	[sflag:s0] =	ssyncset.done @!p0 $0x0  }
0x89: {  	[sflag:s0] =	ssyncadd.s32 @!p0 s1  }
0x8a: {  	[bflag:$0x3] =	sbarrier.arrive $0xFFFF  }
0x8b: {  	_ =	shalt  }

// kernel: kernel.19.cloned.1.call-start
scs
__scs_entry_jumppad:
0x0: {  	(pc) =	sbr.rel $0x88, $3  }
0x1: {  	(tag) =	ssettag $0x0;
	lr =	simm.s32 $0x1  }
0x2: {  	[smem:$0x3F9E] =	sst lr;
	_ =	strace $0xD0000000  }
0x3: {  	_ = 	snop  }
0x4: {  	_ = 	snop  }
0x5: {  	_ = 	snop  }
0x6: {  	_ = 	snop  }
0x7: {  	_ = 	snop  }
__scs_overlays_trampoline_lowered:
0x8: {  	[smem:$0x3FAD] =	sst s0  }
0x9: {  	[smem:$0x3FAE] =	sst s1  }
0xa: {  	[smem:$0x3FAF] =	sst s2  }
0xb: {  	[smem:$0x3FB0] =	sst s3  }
0xc: {  	[smem:$0x3FB1] =	sst s4  }
0xd: {  	[smem:$0x3FB2] =	sst s5  }
0xe: {  	[smem:$0x3FB3] =	sst s6  }
0xf: {  	[smem:$0x3FB4] =	sst s7  }
0x10: {  	[smem:$0x3FB5] =	sst s8  }
0x11: {  	[smem:$0x3FB6] =	sst s9;
	s0 =	simm.s32 @!p0 $0x0  }
0x12: {  	s1 =	sld [smem:$0x3F9C];
	s0 =	simm.s32 @p0 $0x1  }
0x13: {  	[smem:$0x3FB7] =	sst s0;
	s0 =	simm.s32 @!p1 $0x0  }
0x14: {  	s2 =	sld [smem:$0x3F9B];
	s0 =	simm.s32 @p1 $0x1  }
0x15: {  	[smem:$0x3FB8] =	sst s0;
	s0 =	simm.s32 @!p2 $0x0  }
0x16: {  	s3 =	sld [smem:$0x3FDB];
	s0 =	simm.s32 @p2 $0x1  }
0x17: {  	s4 =	simm.s32 $0x1BF5;
	[smem:$0x3FBA] =	sst s0  }
0x18: {  	s0 =	sld [smem:$0x3F9D];
	_ =	swait.ge [sflag:s4], $0x0  }
0x19: {  	s7 =	sld [smem:$0x3F9E]  }
0x1a: {  	s8 =	sadd.s32 $0xFFFFE003, lr  }
0x1b: {  	s9 =	sadd.s32 $0xFFFFFEF7, lr;
	s5 =	simm.s32 $0xFFFFFFFF;
	p2 =	slt.u32 s8, $0xFFFFF086  }
0x1c: {  	p1 =	slt.u32 s9, $0xF7A;
	s5 =	simm.s32 @!p2 $0x0  }
0x1d: {  	s5 =	simm.s32 @p1 $0x1;
	p0 =	seq.s32 s7, s2  }
0x1e: {  	s7 =	smul.u32 @!p0 $0xF7A, s2;
	p2 =	seq.s32 @!p0 s5, $0x0  }
0x1f: {  	s9 =	smul.u32 $0xF7A, s1;
	s8 =	simm.s32 @!p0 $0x1BF5;
	p2 =	por !p2, p0  }
0x20: {  	[sflag:s8] =	ssyncset.s32 @!p0 $0xFFFFF086;
	s6 =	sadd.s32 @!p0 s3, s7;
	s7 =	simm.s32 @!p0 $0x108  }
0x21: {  	s3 =	sadd.s32 s3, s9;
	s6 =	sadd.s32 @!p0 $0x88, s6;
	s7 =	simm.s32 @p2 $0x1082  }
0x22: {  	[simem:s7], [sflag:s8] =	dma.local @!p0 [hbm:s6], $0xF7A  }
0x23: {  	s9 =	sor.u32 $0xD0000000, s2;
	s6 =	simm.s32 $0x108;
	_ =	swait.ge @!p0 [sflag:s8], $0x0  }
0x24: {  	s3 =	sadd.s32 $0x88, s3;
	s6 =	simm.s32 @!p1 $0x1082;
	[sflag:s4] =	ssyncset.s32 $0xFFFFF086  }
0x25: {  	[simem:s6], [sflag:s4] =	dma.local [hbm:s3], $0xF7A  }
0x26: {  	[smem:$0x3F9E] =	sst s1;
	(tag) =	ssettag s2;
	_ =	strace s9  }
0x27: {  	s1 =	sld [smem:$0x3FAE]  }
0x28: {  	s2 =	sld [smem:$0x3FAF]  }
0x29: {  	s4 =	sld [smem:$0x3FB1]  }
0x2a: {  	p0 =	seq.s32 s5, $0x0;
	s5 =	sld [smem:$0x3FB2]  }
0x2b: {  	s6 =	sld [smem:$0x3FB3]  }
0x2c: {  	s7 =	sld [smem:$0x3FB4]  }
0x2d: {  	s3 =	simm.s32 $0x108;
	s8 =	sld [smem:$0x3FB5]  }
0x2e: {  	s3 =	simm.s32 @!p0 $0x1082;
	s9 =	sld [smem:$0x3FB6]  }
0x2f: {  	lr =	sadd.s32 s0, s3;
	s0 =	sld [smem:$0x3FAD]  }
0x30: {  	s3 =	sld [smem:$0x3FB0]  }
0x31: {  	[smem:$0x3FB9] =	sst s10  }
0x32: {  	s10 =	sld [smem:$0x3FB7];
	_ =	sdelay $0x3  }
0x33: {  	p0 =	seq.s32 s10, $0x1;
	s10 =	sld [smem:$0x3FB9];
	_ =	sdelay $0x3  }
0x34: {  	[smem:$0x3FB9] =	sst s10  }
0x35: {  	s10 =	sld [smem:$0x3FB8];
	_ =	sdelay $0x3  }
0x36: {  	p1 =	seq.s32 s10, $0x1;
	s10 =	sld [smem:$0x3FB9];
	_ =	sdelay $0x3  }
0x37: {  	[smem:$0x3FB9] =	sst s10  }
0x38: {  	s10 =	sld [smem:$0x3FBA]  }
0x39: {  	_ = 	snop;
	(pc) =	sbr.ind lr, $3  }
0x3a: {  	_ = 	snop  }
0x3b: {  	_ = 	snop  }
0x3c: {  	p2 =	seq.s32 s10, $0x1;
	s10 =	sld [smem:$0x3FB9]  }
0x3d: {  	_ =	shalt  }
0x3e: {  	_ =	shalt  }
0x3f: {  	_ =	shalt  }
0x40: {  	_ =	shalt  }
0x41: {  	_ =	shalt  }
0x42: {  	_ =	shalt  }
0x43: {  	_ =	shalt  }
0x44: {  	_ =	shalt  }
0x45: {  	_ =	shalt  }
0x46: {  	_ =	shalt  }
0x47: {  	_ =	shalt  }
0x48: {  	_ =	shalt  }
0x49: {  	_ =	shalt  }
0x4a: {  	_ =	shalt  }
0x4b: {  	_ =	shalt  }
0x4c: {  	_ =	shalt  }
0x4d: {  	_ =	shalt  }
0x4e: {  	_ =	shalt  }
0x4f: {  	_ =	shalt  }
0x50: {  	_ =	shalt  }
0x51: {  	_ =	shalt  }
0x52: {  	_ =	shalt  }
0x53: {  	_ =	shalt  }
0x54: {  	_ =	shalt  }
0x55: {  	_ =	shalt  }
0x56: {  	_ =	shalt  }
0x57: {  	_ =	shalt  }
0x58: {  	_ =	shalt  }
0x59: {  	_ =	shalt  }
0x5a: {  	_ =	shalt  }
0x5b: {  	_ =	shalt  }
0x5c: {  	_ =	shalt  }
0x5d: {  	_ =	shalt  }
0x5e: {  	_ =	shalt  }
0x5f: {  	_ =	shalt  }
0x60: {  	_ =	shalt  }
0x61: {  	_ =	shalt  }
0x62: {  	_ =	shalt  }
0x63: {  	_ =	shalt  }
0x64: {  	_ =	shalt  }
0x65: {  	_ =	shalt  }
0x66: {  	_ =	shalt  }
0x67: {  	_ =	shalt  }
0x68: {  	_ =	shalt  }
0x69: {  	_ =	shalt  }
0x6a: {  	_ =	shalt  }
0x6b: {  	_ =	shalt  }
0x6c: {  	_ =	shalt  }
0x6d: {  	_ =	shalt  }
0x6e: {  	_ =	shalt  }
0x6f: {  	_ =	shalt  }
0x70: {  	_ =	shalt  }
0x71: {  	_ =	shalt  }
0x72: {  	_ =	shalt  }
0x73: {  	_ =	shalt  }
0x74: {  	_ =	shalt  }
0x75: {  	_ =	shalt  }
0x76: {  	_ =	shalt  }
0x77: {  	_ =	shalt  }
0x78: {  	_ =	shalt  }
0x79: {  	_ =	shalt  }
0x7a: {  	_ =	shalt  }
0x7b: {  	_ =	shalt  }
0x7c: {  	_ =	shalt  }
0x7d: {  	_ =	shalt  }
0x7e: {  	_ =	shalt  }
0x7f: {  	_ =	shalt  }
0x80: {  	_ =	shalt  }
0x81: {  	_ =	shalt  }
0x82: {  	_ =	shalt  }
0x83: {  	_ =	shalt  }
0x84: {  	_ =	shalt  }
0x85: {  	_ =	shalt  }
0x86: {  	_ =	shalt  }
0x87: {  	_ =	shalt  }
.Lfunc_end0:
.L_simem_size_0:
called_computation.3_lowered:
.L_overlay_start_0:
0x88: {  	s2 =	sld [smem:$0x3FD9]  }
0x89: {  	s3 =	sld [smem:$0x3FFE];
	_ =	sdelay $0x1  }
0x8a: {  	s1 =	srdreg.scid  }
0x8b: {  	s0 =	sand.u32 $0x1, s1  }
0x8c: {  	s17 =	sshll.u32 s0, $0xA;
	s2 =	sadd.s32 s3, s2  }
0x8d: {  	s2 =	sadd.s32 s2, s17  }
0x8e: {  	[smem:$0x3FC5] =	sst s2  }
0x8f: {  	_ = 	snop  }
0x90: {  	s18 =	sld [smem:$0x3FC7];
	(tm) =	ssettm $0x1  }
0x91: {  	s19 =	sld [smem:$0x3FFB];
	_ =	sdelay $0x3  }
0x92: {  	_ =	strace s19  }
0x93: {  	s2 =	sld [smem:$0x3FFC];
	_ =	sdelay $0x3  }
0x94: {  	_ =	strace s2  }
0x95: {  	s2 =	sld [smem:$0x3FFD];
	_ =	sdelay $0x3  }
0x96: {  	_ =	strace s2  }
0x97: {  	_ =	strace $0x8FFFFFFF  }
0x98: {  	s20 =	sld [smem:$0x3FDB];
	_ =	sdelay $0x1  }
0x99: {  	s4 =	simm.s32 $_scs_section_size  }
0x9a: {  	s5 =	simm.s32 $_size__tile_overlayer_lowered;
	s6 =	simm.s32 $_tile_overlayer_lowered  }
0x9b: {  	s7 =	simm.s32 $0x1BFF;
	s21 =	sshll.u32 s6, $0x1;
	s4 =	sadd.s32 s4, s20  }
0x9c: {  	s22 =	simm.s32 $0x0;
	s5 =	sshll.u32 s5, $0x1;
	s6 =	sadd.s32 s21, s4  }
0x9d: {  	[timem:s22], [sflag:s7] =	dma.local [hbm:s6], s5  }
0x9e: {  	_ =	swait.ge [sflag:s7], s5  }
0x9f: {  	s5 =	ssub.s32 $0x0, s5;
	[sflag:s7] =	ssyncset.done $0x0  }
0xa0: {  	[sflag:s7] =	ssyncadd.s32 s5;
	_ =	sdelay $0x1  }
0xa1: {  	s23 =	simm.s32 $0x1B8B  }
0xa2: {  	_ =	swait.ge [sflag:s23], $0x1  }
0xa3: {  	[sflag:s23] =	ssyncset.done $0x0  }
0xa4: {  	[sflag:s23] =	ssyncadd.s32 $0xFFFFFFFF  }
0xa5: {  	s5 =	sld [smem:$0x0]  }
0xa6: {  	s6 =	sand.u32 $0xFFFFFFFE, s1  }
0xa7: {  	p0 =	sne.s32 s1, s6  }
0xa8: {  	s6 =	sshll.u32 @p0 s6, $0xE  }
0xa9: {  	s6 =	sadd.s32 @p0 $0x11B8D, s6;
	s7 =	sshll.u32 @p0 s5, $0x11  }
0xaa: {  	s6 =	sor.u32 @p0 s7, s6  }
0xab: {  	[sflag:s6] =	ssyncadd.remote.s32 @p0 $0x1;
	_ =	sdelay $0x1  }
0xac: {  	s6 =	simm.s32 @p0 $0x1B8D  }
0xad: {  	_ =	swait.eq @p0 [sflag:s6], $0x1  }
0xae: {  	[sflag:s6] =	ssyncadd.s32 @p0 $0xFFFFFFFF  }
0xaf: {  	s7 =	sshll.u32 @!p0 s1, $0xE  }
0xb0: {  	s7 =	sor.u32 @!p0 $0x4000, s7;
	s6 =	simm.s32 @!p0 $0x1B8D  }
0xb1: {  	s5 =	sshll.u32 @!p0 s5, $0x11;
	s7 =	sadd.s32 @!p0 $0x11B8D, s7;
	_ =	swait.eq @!p0 [sflag:s6], $0x1  }
0xb2: {  	s5 =	sor.u32 @!p0 s5, s7;
	[sflag:s6] =	ssyncadd.s32 @!p0 $0xFFFFFFFF  }
0xb3: {  	s25 =	simm.s32 $0x1B8E;
	s24 =	sld [smem:$0x3FFE];
	[sflag:s5] =	ssyncadd.remote.s32 @!p0 $0x1  }
0xb4: {  	s26 =	simm.s32 $execute0_lowered;
	[smem:$0x3FD2] =	sst s25  }
0xb5: {  	s6 =	sshll.u32 s26, $0x1;
	_ =	strace $0x8000004F;
	[dreg:$0x1] =	wrdreg $0xFFFFFFFF  }
0xb6: {  	s28 =	simm.s32 $_size_execute0_lowered;
	s4 =	sadd.s32 s4, s6;
	[dreg:$0x0] =	wrdreg $0x0  }
0xb7: {  	s6 =	sshll.u32 s28, $0x1;
	[dreg:$0x2] =	wrdreg s4  }
0xb8: {  	[dreg:$0x3] =	wrdreg s6  }
0xb9: {  	[dreg:$0x4] =	wrdreg $0xC0  }
0xba: {  	_ =	task [dreg:s22], $0x5FFFF  }
0xbb: {  	[dreg:$0x1] =	wrdreg $0xFFFFFFFF  }
0xbc: {  	[dreg:$0x0] =	wrdreg $0x60  }
0xbd: {  	[dreg:$0x2] =	wrdreg s18  }
0xbe: {  	[dreg:$0x3] =	wrdreg s24  }
0xbf: {  	[dreg:$0x4] =	wrdreg $0xC  }
0xc0: {  	_ =	task.clear_ibuf [dreg:s22], $0x5FFFF;
	_ =	strace $0x9000004F  }
0xc1: {  	s29 =	simm.s32 $0xC;
	_ =	strace $0x80000051  }
0xc2: {  	_ =	swait.ge [sflag:s29], $0x1  }
0xc3: {  	[sflag:s29] =	ssyncadd.s32 $0xFFFFFFFF  }
0xc4: {  	_ =	strace $0x90000051  }
0xc5: {  	_ =	sfence  }
0xc6: {  	s30 =	sld [smem:$0x0];
	_ =	sdelay $0x2  }
0xc7: {  	s31 =	sshll.u32 s1, $0xD;
	s1 =	sshrl.u32 s1, $0x2  }
0xc8: {  	s4 =	sand.u32 $0x4000, s31;
	s1 =	sadd.s32 s1, s30  }
0xc9: {  	s0 =	sor.u32 s4, s0;
	s1 =	sshll.u32 s1, $0x11  }
0xca: {  	s0 =	sor.u32 s1, s0  }
0xcb: {  	s0 =	sadd.s32 $0x8F2B, s0  }
0xcc: {  	[sflag:s0] =	ssyncadd.remote.s32 $0x1  }
0xcd: {  	_ =	sfence.sel $0xFFFF  }
0xce: {  	[dreg:$0x0] =	wrdreg $0xFFFFFFFF;
	(pc) =	sbr.abs _section_cstart, $3  }
0xcf: {  	[dreg:$0x1] =	wrdreg $0xFFFFFFFF  }
0xd0: {  	_ =	task.clear_ibuf [dreg:s22], $0x2FFFF;
	_ =	strace $0x9FFFFFFF  }
0xd1: {  	(tm) =	ssettm $0x7FFFFFFF  }
tec
execute0_lowered:
.L_overlay_start_1:
0x0: {  	(tag) =	ssettag $0x1  }
0x1: {  	s1 =	srdreg.scid  }
0x2: {  	s0 =	stileid.u32;
	s2 =	rddreg [dreg:$0x0]  }
0x3: {  	s5 =	rddreg [dreg:$0x1];
	s18 =	simm.s32 $0x880;
	s19 =	simm.s32 $0x1080  }
0x4: {  	s20 =	simm.s32 $0x1880;
	s22 =	simm.s32 $0x2080;
	s23 =	simm.s32 $0x2880  }
0x5: {  	s24 =	simm.s32 $0x3080;
	s7 =	simm.s32 $0x3880;
	s8 =	simm.s32 $0x4080  }
0x6: {  	s25 =	simm.s32 $0x4880;
	s26 =	simm.s32 $0x5080;
	s1 =	sand.u32 $0x1, s1  }
0x7: {  	s9 =	simm.s32 $0x80;
	s3 =	sshll.u32 s0, $0x7;
	s4 =	sshll.u32 s1, $0x6  }
0x8: {  	s11 =	simm.s32 $0x6080;
	s4 =	sor.u32 s4, s3;
	s3 =	simm.s32 $0x0  }
0x9: {  	s12 =	simm.s32 $0x6880;
	s13 =	simm.s32 $0x7080;
	[smem:$0x7FF] =	sst s3  }
0xa: {  	s14 =	simm.s32 $0x7880;
	_ =	strace $0x80000050;
	[dreg:$0x5] =	wrdreg s18  }
0xb: {  	s15 =	simm.s32 $0x8080;
	s16 =	simm.s32 $0x8880;
	[dreg:$0x6] =	wrdreg s19  }
0xc: {  	s28 =	simm.s32 $0xE080;
	s29 =	simm.s32 $0xE880;
	[dreg:$0x7] =	wrdreg s20  }
0xd: {  	s30 =	simm.s32 $0xF080;
	s1 =	ssub.s32 $0x2, s1;
	[dreg:$0x8] =	wrdreg s22  }
0xe: {  	s31 =	simm.s32 $0xF880;
	s21 =	sshrl.u32 s1, $0x1;
	[dreg:$0x9] =	wrdreg s23  }
0xf: {  	s6 =	sshrl.u32 s4, $0x3;
	s4 =	sshll.u32 s4, $0x7;
	[dreg:$0xa] =	wrdreg s24  }
0x10: {  	s1 =	ssub.s32 s1, s21;
	s21 =	simm.s32 $0xB080;
	[dreg:$0xb] =	wrdreg s7  }
0x11: {  	s6 =	sadd.s32 s6, s5;
	s4 =	sadd.s32 s4, s5;
	[dreg:$0xc] =	wrdreg s8  }
0x12: {  	s5 =	sadd.s32 $0x200, s2;
	s7 =	smax.u32 s1, $0x1;
	[dreg:$0xd] =	wrdreg s25  }
0x13: {  	s8 =	simm.s32 $0x2;
	[dreg:$0xe] =	wrdreg s26;
	s18 =	simm.s32 $0x9880  }
0x14: {  	s19 =	simm.s32 $0xA080;
	s20 =	simm.s32 $0xA880;
	s22 =	simm.s32 $0xB880  }
0x15: {  	s23 =	simm.s32 $0xC080;
	s24 =	simm.s32 $0xC880;
	s25 =	simm.s32 $0xD080  }
0x16: {  	v2 =	vlaneseq.u32;
	s26 =	simm.s32 $0xD880;
	s1 =	simm.s32 $0x1;
	s17 =	sadd.s32 $0x2000, s6  }
0x17: {  	vm0 =	vmmov $0xffff;
	v1 =	vshrl.u32 v2, $0x3;
	s4 =	sadd.s32 $0x82200, s4;
	s6 =	sadd.s32 $0x300, s2;
	[dreg:$0x3] =	wrdreg s17  }
0x18: {  	v0 =	vand.u32 $0x7, v2;
	v2 =	vor.u32 $0x8, v2;
	v1 =	vmul.u32 $0x8, v1;
	[dreg:$0x4] =	wrdreg s4;
	s4 =	sadd.s32 $0x100, s2;
	s17 =	simm.s32 $0x9080  }
.LBB2_1:
0x19: {  	s0 =	rddreg [dreg:$0x3]  }
0x1a: {  	[tilespmem:s3], [sflag:$0x2] =	stream.linear.gather [hbm4b:s0+s3], $0x40, $0x38;
	[tilespmem:$0x10080] =	vst v63  }
0x1b: {  	_ =	swait.ge [sflag:s8], $0x40  }
0x1c: {  	[sflag:s8] =	ssyncset.done $0x0  }
0x1d: {  	[sflag:s8] =	ssyncadd.s32 $0xFFFFFFC0  }
0x1e: {  	v3 =	vld [tilespmem:$0x0];
	_ =	sdelay $0x4  }
0x1f: {  	v4 =	vshll.u32 v3, $0x3  }
0x20: {  	v3 =	vand.u32 $0x7, v3;
	v4 =	vand.u32 $0xFFFFFFC0, v4  }
0x21: {  	v3 =	vor.u32 v3, v4  }
0x22: {  	v4 =	vperm.xlane v3, v0;
	_ =	sdelay $0x1  }
0x23: {  	v4 =	vadd.s32 v1, v4;
	_ =	sdelay $0x4  }
0x24: {  	[tilespmem:s9], [sflag:$0x1] =	stream.indirect_vreg.gather [hbm4b:s2+s3], $0x80, v4, vm0, $0xb8;
	[tilespmem:$0x10080] =	vst v63  }
0x25: {  	s0 =	rddreg [dreg:$0x5];
	v3 =	vperm.xlane v3, v2  }
0x26: {  	[tilespmem:s0], [sflag:$0x1] =	stream.indirect_vreg.gather [hbm4b:s4+s3], $0x80, v4, vm0, $0xb8;
	[tilespmem:$0x10080] =	vst v63  }
0x27: {  	s10 =	rddreg [dreg:$0x6];
	v3 =	vadd.s32 v1, v3  }
0x28: {  	[tilespmem:s10], [sflag:$0x1] =	stream.indirect_vreg.gather [hbm4b:s5+s3], $0x80, v4, vm0, $0xb8;
	[tilespmem:$0x10080] =	vst v63  }
0x29: {  	s0 =	rddreg [dreg:$0x7]  }
0x2a: {  	[tilespmem:s0], [sflag:$0x1] =	stream.indirect_vreg.gather [hbm4b:s6+s3], $0x80, v4, vm0, $0xb8;
	[tilespmem:$0x10080] =	vst v63  }
0x2b: {  	s10 =	rddreg [dreg:$0x8]  }
0x2c: {  	[tilespmem:s10], [sflag:$0x1] =	stream.indirect_vreg.gather [hbm4b:s2+s3], $0x80, v3, vm0, $0xb8;
	[tilespmem:$0x10080] =	vst v63  }
0x2d: {  	s0 =	rddreg [dreg:$0x9]  }
0x2e: {  	[tilespmem:s0], [sflag:$0x1] =	stream.indirect_vreg.gather [hbm4b:s4+s3], $0x80, v3, vm0, $0xb8;
	[tilespmem:$0x10080] =	vst v63  }
0x2f: {  	s10 =	rddreg [dreg:$0xa]  }
0x30: {  	[tilespmem:s10], [sflag:$0x1] =	stream.indirect_vreg.gather [hbm4b:s5+s3], $0x80, v3, vm0, $0xb8;
	[tilespmem:$0x10080] =	vst v63  }
0x31: {  	s0 =	rddreg [dreg:$0xb]  }
0x32: {  	[tilespmem:s0], [sflag:$0x1] =	stream.indirect_vreg.gather [hbm4b:s6+s3], $0x80, v3, vm0, $0xb8;
	[tilespmem:$0x10080] =	vst v63  }
0x33: {  	v3 =	vld [tilespmem:$0x10];
	_ =	sdelay $0x4  }
0x34: {  	v61 =	vshll.u32 v3, $0x3  }
0x35: {  	v3 =	vand.u32 $0x7, v3;
	v4 =	vand.u32 $0xFFFFFFC0, v61  }
0x36: {  	v3 =	vor.u32 v3, v4  }
0x37: {  	v4 =	vperm.xlane v3, v0;
	_ =	sdelay $0x1  }
0x38: {  	v4 =	vadd.s32 v1, v4;
	_ =	sdelay $0x3  }
0x39: {  	s0 =	rddreg [dreg:$0xc]  }
0x3a: {  	[tilespmem:s0], [sflag:$0x1] =	stream.indirect_vreg.gather [hbm4b:s2+s3], $0x80, v4, vm0, $0xb8;
	[tilespmem:$0x10080] =	vst v63  }
0x3b: {  	s10 =	rddreg [dreg:$0xd];
	v3 =	vperm.xlane v3, v2  }
0x3c: {  	[tilespmem:s10], [sflag:$0x1] =	stream.indirect_vreg.gather [hbm4b:s4+s3], $0x80, v4, vm0, $0xb8;
	[tilespmem:$0x10080] =	vst v63  }
0x3d: {  	v3 =	vadd.s32 v1, v3;
	s0 =	rddreg [dreg:$0xe]  }
0x3e: {  	[tilespmem:s0], [sflag:$0x1] =	stream.indirect_vreg.gather [hbm4b:s5+s3], $0x80, v4, vm0, $0xb8;
	[tilespmem:$0x10080] =	vst v63  }
0x3f: {  	s10 =	simm.s32 $0x5880  }
0x40: {  	[tilespmem:s10], [sflag:$0x1] =	stream.indirect_vreg.gather [hbm4b:s6+s3], $0x80, v4, vm0, $0xb8;
	[tilespmem:$0x10080] =	vst v63  }
0x41: {  	_ = 	snop  }
0x42: {  	[tilespmem:s11], [sflag:$0x1] =	stream.indirect_vreg.gather [hbm4b:s2+s3], $0x80, v3, vm0, $0xb8;
	[tilespmem:$0x10080] =	vst v63  }
0x43: {  	_ = 	snop  }
0x44: {  	[tilespmem:s12], [sflag:$0x1] =	stream.indirect_vreg.gather [hbm4b:s4+s3], $0x80, v3, vm0, $0xb8;
	[tilespmem:$0x10080] =	vst v63  }
0x45: {  	_ = 	snop  }
0x46: {  	[tilespmem:s13], [sflag:$0x1] =	stream.indirect_vreg.gather [hbm4b:s5+s3], $0x80, v3, vm0, $0xb8;
	[tilespmem:$0x10080] =	vst v63  }
0x47: {  	_ = 	snop  }
0x48: {  	[tilespmem:s14], [sflag:$0x1] =	stream.indirect_vreg.gather [hbm4b:s6+s3], $0x80, v3, vm0, $0xb8;
	[tilespmem:$0x10080] =	vst v63  }
0x49: {  	v3 =	vld [tilespmem:$0x20];
	_ =	sdelay $0x4  }
0x4a: {  	v62 =	vshll.u32 v3, $0x3  }
0x4b: {  	v3 =	vand.u32 $0x7, v3;
	v4 =	vand.u32 $0xFFFFFFC0, v62  }
0x4c: {  	v3 =	vor.u32 v3, v4  }
0x4d: {  	v4 =	vperm.xlane v3, v0;
	_ =	sdelay $0x1  }
0x4e: {  	v4 =	vadd.s32 v1, v4;
	_ =	sdelay $0x4  }
0x4f: {  	[tilespmem:s15], [sflag:$0x1] =	stream.indirect_vreg.gather [hbm4b:s2+s3], $0x80, v4, vm0, $0xb8;
	[tilespmem:$0x10080] =	vst v63  }
0x50: {  	v3 =	vperm.xlane v3, v2  }
0x51: {  	[tilespmem:s16], [sflag:$0x1] =	stream.indirect_vreg.gather [hbm4b:s4+s3], $0x80, v4, vm0, $0xb8;
	[tilespmem:$0x10080] =	vst v63  }
0x52: {  	v3 =	vadd.s32 v1, v3  }
0x53: {  	[tilespmem:s17], [sflag:$0x1] =	stream.indirect_vreg.gather [hbm4b:s5+s3], $0x80, v4, vm0, $0xb8;
	[tilespmem:$0x10080] =	vst v63  }
0x54: {  	_ = 	snop  }
0x55: {  	[tilespmem:s18], [sflag:$0x1] =	stream.indirect_vreg.gather [hbm4b:s6+s3], $0x80, v4, vm0, $0xb8;
	[tilespmem:$0x10080] =	vst v63  }
0x56: {  	_ = 	snop  }
0x57: {  	[tilespmem:s19], [sflag:$0x1] =	stream.indirect_vreg.gather [hbm4b:s2+s3], $0x80, v3, vm0, $0xb8;
	[tilespmem:$0x10080] =	vst v63  }
0x58: {  	_ = 	snop  }
0x59: {  	[tilespmem:s20], [sflag:$0x1] =	stream.indirect_vreg.gather [hbm4b:s4+s3], $0x80, v3, vm0, $0xb8;
	[tilespmem:$0x10080] =	vst v63  }
0x5a: {  	_ = 	snop  }
0x5b: {  	[tilespmem:s21], [sflag:$0x1] =	stream.indirect_vreg.gather [hbm4b:s5+s3], $0x80, v3, vm0, $0xb8;
	[tilespmem:$0x10080] =	vst v63  }
0x5c: {  	_ = 	snop  }
0x5d: {  	[tilespmem:s22], [sflag:$0x1] =	stream.indirect_vreg.gather [hbm4b:s6+s3], $0x80, v3, vm0, $0xb8;
	[tilespmem:$0x10080] =	vst v63  }
0x5e: {  	v3 =	vld [tilespmem:$0x30];
	_ =	sdelay $0x4  }
0x5f: {  	v63 =	vshll.u32 v3, $0x3  }
0x60: {  	v3 =	vand.u32 $0x7, v3;
	v4 =	vand.u32 $0xFFFFFFC0, v63  }
0x61: {  	v3 =	vor.u32 v3, v4  }
0x62: {  	v4 =	vperm.xlane v3, v0;
	_ =	sdelay $0x1  }
0x63: {  	v4 =	vadd.s32 v1, v4;
	_ =	sdelay $0x4  }
0x64: {  	[tilespmem:s23], [sflag:$0x1] =	stream.indirect_vreg.gather [hbm4b:s2+s3], $0x80, v4, vm0, $0xb8;
	[tilespmem:$0x10080] =	vst v63  }
0x65: {  	v3 =	vperm.xlane v3, v2  }
0x66: {  	[tilespmem:s24], [sflag:$0x1] =	stream.indirect_vreg.gather [hbm4b:s4+s3], $0x80, v4, vm0, $0xb8;
	[tilespmem:$0x10080] =	vst v63  }
0x67: {  	v3 =	vadd.s32 v1, v3  }
0x68: {  	[tilespmem:s25], [sflag:$0x1] =	stream.indirect_vreg.gather [hbm4b:s5+s3], $0x80, v4, vm0, $0xb8;
	[tilespmem:$0x10080] =	vst v63  }
0x69: {  	_ = 	snop  }
0x6a: {  	[tilespmem:s26], [sflag:$0x1] =	stream.indirect_vreg.gather [hbm4b:s6+s3], $0x80, v4, vm0, $0xb8;
	[tilespmem:$0x10080] =	vst v63  }
0x6b: {  	_ = 	snop  }
0x6c: {  	[tilespmem:s28], [sflag:$0x1] =	stream.indirect_vreg.gather [hbm4b:s2+s3], $0x80, v3, vm0, $0xb8;
	[tilespmem:$0x10080] =	vst v63  }
0x6d: {  	_ = 	snop  }
0x6e: {  	[tilespmem:s29], [sflag:$0x1] =	stream.indirect_vreg.gather [hbm4b:s4+s3], $0x80, v3, vm0, $0xb8;
	[tilespmem:$0x10080] =	vst v63  }
0x6f: {  	_ = 	snop  }
0x70: {  	[tilespmem:s30], [sflag:$0x1] =	stream.indirect_vreg.gather [hbm4b:s5+s3], $0x80, v3, vm0, $0xb8;
	[tilespmem:$0x10080] =	vst v63  }
0x71: {  	_ = 	snop  }
0x72: {  	[tilespmem:s31], [sflag:$0x1] =	stream.indirect_vreg.gather [hbm4b:s6+s3], $0x80, v3, vm0, $0xb8;
	[tilespmem:$0x10080] =	vst v63  }
0x73: {  	_ =	swait.ge [sflag:s1], $0x10000  }
0x74: {  	p0 =	sne.s32 s7, $0x1;
	[sflag:s1] =	ssyncset.done $0x0  }
.Ltmp0:
0x75: {  	s10 =	rddreg [dreg:$0x4];
	[sflag:s1] =	ssyncadd.s32 $0xFFFF0000;
	(pc) =	sbr.rel @p0 .LBB2_1-.Ltmp0, $4  }
0x76: {  	[hbm4b:s10+s3] =	stream.linear.scatter [tilespmem:s9], [sflag:$0x2], $0x10000, $0x38;
	[tilespmem:$0x10080] =	vst v63  }
0x77: {  	_ =	swait.ge [sflag:s8], $0x10000  }
0x78: {  	[sflag:s8] =	ssyncset.done $0x0  }
0x79: {  	s7 =	sadd.s32 $0xFFFFFFFF, s7;
	[sflag:s8] =	ssyncadd.s32 $0xFFFF0000  }
0x7a: {  	_ =	sfence.sel $0x180000  }
0x7b: {  	[bflag:$0x0] =	sbarrier.arrive $0xFFFF  }
0x7c: {  	_ =	strace $0x90000050  }
0x7d: {  	s0 =	stileid.u32;
	[bflag:$0x2] =	sbarrier.arrive $0xFFFF  }
0x7e: {  	p0 =	sne.s32 s0, $0x0;
	s0 =	rddreg [dreg:$0x2]  }
0x7f: {  	s0 =	sadd.s32 @!p0 $0x100000, s0  }
0x80: {  	[sflag:s0] =	ssyncadd.tile.s32 @!p0 $0x1;
	_ =	shalt  }
.Lfunc_end2:
_tile_overlayer_lowered:
.L_overlay_start_2:
0x81: {  	(tag) =	ssettag $0x2  }
0x82: {  	s0 =	rddreg [dreg:$0x0];
	s2 =	stileid.u32  }
0x83: {  	s1 =	rddreg [dreg:$0x1];
	p0 =	sne.s32 s2, $0x0  }
0x84: {  	s3 =	rddreg [dreg:$0x2];
	[bflag:$0x3] =	sbarrier.arrive $0xFFFF;
	s2 =	simm.s32 @!p0 $0x1C02  }
0x85: {  	[timem:s3], [sflag:s2] =	dma.local @!p0 [hbm:s0], s1  }
0x86: {  	s0 =	simm.s32 @!p0 $0x2  }
0x87: {  	_ =	swait.ge @!p0 [sflag:s0], s1  }
0x88: {  	s1 =	ssub.s32 @!p0 $0x0, s1;
	[sflag:s0] =	ssyncset.done @!p0 $0x0  }
0x89: {  	[sflag:s0] =	ssyncadd.s32 @!p0 s1  }
0x8a: {  	[bflag:$0x3] =	sbarrier.arrive $0xFFFF  }
0x8b: {  	_ =	shalt  }

</sc_bundles>
